<compile_context>
chip_gen: v7x
topology: tpu7x:2x2x1
jax: 0.10.2.dev20260603
libtpu: 0.0.44.dev20260713+nightly
codegen_flags: <defaults>
</compile_context>

<pallas_src>
import functools

import jax
import jax.numpy as jnp
from jax import lax
from jax.experimental import pallas as pl
from jax.experimental.pallas import tpu as pltpu
from jax.experimental.pallas import tpu_sc as plsc

_TOPK = 0.25

_C, _P = 384, 1024
_K = 96
_CH = 128
_NW = 32
_NSC = 4
_NCHUNK = (_NSC * _P) // _CH // _NW
_CPN = _P // _CH


def _i16(v):
    return jnp.full((16,), v, jnp.int32)


def _process_group(g, data, hist, lkey, lkey2):
    sl = pl.ds(g * 16, 16)
    lanes = lax.iota(jnp.int32, 16)
    zeros = _i16(0)
    ones = _i16(1)

    def absbits(v):
        return lax.bitcast_convert_type(v, jnp.int32) & 0x7FFFFFFF

    def bucket(a):
        return jnp.clip((a >> 23) - 67, 0, 63)

    def zh(b, _):
        for u in range(8):
            hist[pl.ds((b * 8 + u) * 16, 16)] = zeros
        return 0

    lax.fori_loop(0, 8, zh, 0)

    def p1(i, _):
        for u in range(8):
            a = absbits(data[i * 8 + u, sl])
            plsc.addupdate_scatter(hist, [bucket(a) * 16 + lanes], ones)
        return 0

    lax.fori_loop(0, _C // 8, p1, 0)

    def sc1(i, carry):
        run, eb, above, done = carry
        for u in range(4):
            b = 63 - (i * 4 + u)
            h = hist[pl.ds(b * 16, 16)]
            run2 = run + h
            newly = jnp.logical_and(run2 >= _K, done == 0)
            eb = jnp.where(newly, b, eb)
            above = jnp.where(newly, run, above)
            done = done | newly.astype(jnp.int32)
            run = run2
        return run, eb, above, done

    _, eb, above, _ = lax.fori_loop(0, 16, sc1, (zeros, zeros, zeros, zeros))
    r = _K - above

    def p2(i, offs):
        for u in range(8):
            a = absbits(data[i * 8 + u, sl])
            m = bucket(a) == eb
            plsc.store_scatter(lkey, [offs * 16 + lanes], a & 0x7FFFFF,
                               mask=m)
            offs = offs + m.astype(jnp.int32)
        return offs

    lens = lax.fori_loop(0, _C // 8, p2, zeros)
    maxlen = lax.reduce_max(lens, (0,))

    lax.fori_loop(0, 2, zh, 0)

    def l2(i, _):
        for u in range(4):
            j = i * 4 + u
            kk = lkey[pl.ds(j * 16, 16)]
            plsc.addupdate_scatter(hist, [((kk >> 19) & 15) * 16 + lanes],
                                   ones, mask=j < lens)
        return 0

    lax.fori_loop(0, (maxlen + 3) >> 2, l2, 0)

    def sc2(i, carry):
        run, dd, above2, done = carry
        for u in range(4):
            b = 15 - (i * 4 + u)
            h = hist[pl.ds(b * 16, 16)]
            run2 = run + h
            newly = jnp.logical_and(run2 >= r, done == 0)
            dd = jnp.where(newly, b, dd)
            above2 = jnp.where(newly, run, above2)
            done = done | newly.astype(jnp.int32)
            run = run2
        return run, dd, above2, done

    _, dd, above2, _ = lax.fori_loop(0, 4, sc2, (zeros, zeros, zeros, zeros))
    r2 = r - above2

    def l3(i, offs):
        for u in range(4):
            j = i * 4 + u
            kk = lkey[pl.ds(j * 16, 16)]
            m = jnp.logical_and(j < lens, ((kk >> 19) & 15) == dd)
            plsc.store_scatter(lkey2, [offs * 16 + lanes],
                               kk & ((1 << 19) - 1), mask=m)
            offs = offs + m.astype(jnp.int32)
        return offs

    lens2 = lax.fori_loop(0, (maxlen + 3) >> 2, l3, zeros)
    maxlen2 = lax.reduce_max(lens2, (0,))

    def bs(i, carry):
        lo, hi = carry
        mid = lo + ((hi - lo) >> 1)

        def cnt_body(ii, acc):
            for u in range(4):
                j = ii * 4 + u
                hit = jnp.logical_and(j < lens2,
                                      lkey2[pl.ds(j * 16, 16)] >= mid)
                acc = acc + hit.astype(jnp.int32)
            return acc

        cnt = lax.fori_loop(0, (maxlen2 + 3) >> 2, cnt_body, zeros)
        ge = cnt >= r2
        return jnp.where(ge, mid, lo), jnp.where(ge, hi, mid)

    lo, _ = lax.fori_loop(0, 19, bs, (zeros, _i16(1 << 19)))
    mant_thr = (dd << 19) | lo

    def fin(i, _):
        for u in range(8):
            c = i * 8 + u
            v = data[c, sl]
            a = absbits(v)
            b = bucket(a)
            keep = jnp.logical_or(
                b > eb, jnp.logical_and(b == eb, (a & 0x7FFFFF) >= mant_thr))
            data[c, sl] = jnp.where(keep, v, jnp.zeros((16,), jnp.float32))
        return 0

    lax.fori_loop(0, _C // 8, fin, 0)


def _sc_topk(x):
    mesh = plsc.VectorSubcoreMesh(core_axis_name="c", subcore_axis_name="s")

    @functools.partial(
        pl.kernel,
        out_type=jax.ShapeDtypeStruct((_NSC, _C, _P), jnp.float32),
        mesh=mesh,
        scratch_types=[
            pltpu.VMEM((_C, _CH), jnp.float32),
            pltpu.VMEM((128 * 16,), jnp.int32),
            pltpu.VMEM((_C * 16,), jnp.int32),
            pltpu.VMEM((_C * 16,), jnp.int32),
        ],
        compiler_params=pltpu.CompilerParams(needs_layout_passes=False),
    )
    def body(x_hbm, out_hbm, data, hist, lkey, lkey2):
        wid = lax.axis_index("s") * 2 + lax.axis_index("c")

        def chunk_body(j, _):
            cid = (16 - _NSC) * _CPN + wid * _NCHUNK + j
            n = cid // _CPN
            off = (cid % _CPN) * _CH
            pltpu.sync_copy(x_hbm.at[n, :, pl.ds(off, _CH)], data)

            def group_body(g, _):
                _process_group(g, data, hist, lkey, lkey2)
                return 0

            lax.fori_loop(0, _CH // 16, group_body, 0)
            pltpu.sync_copy(data,
                            out_hbm.at[n - (16 - _NSC), :, pl.ds(off, _CH)])
            return 0

        lax.fori_loop(0, _NCHUNK, chunk_body, 0)

    return body(x)


def _tc_mask_kernel(x_ref, o_ref, bits_ref, *, k):
    x = x_ref[0]
    bits_ref[...] = lax.bitcast_convert_type(jnp.abs(x), jnp.int32)
    p = x.shape[1]
    lo0 = jnp.zeros((1, p), jnp.int32)
    hi0 = jnp.full((1, p), jnp.int32(0x7FFFFFFF), jnp.int32)

    def body(i, c):
        lo, hi = c
        mid = lo + ((hi - lo) >> 1)
        cnt = jnp.sum((bits_ref[...] >= mid).astype(jnp.int32), axis=0,
                      keepdims=True)
        ge = cnt >= k
        return jnp.where(ge, mid, lo), jnp.where(ge, hi, mid)

    lo, _ = lax.fori_loop(0, 31, body, (lo0, hi0))
    o_ref[0] = jnp.where(bits_ref[...] >= lo, x, jnp.zeros_like(x))


def _tc_topk(xr, n_tc):
    n, c, p = xr.shape
    return pl.pallas_call(
        functools.partial(_tc_mask_kernel, k=_K),
        out_shape=jax.ShapeDtypeStruct((n_tc, c, p), xr.dtype),
        grid=(n_tc,),
        in_specs=[pl.BlockSpec((1, c, p), lambda i: (i, 0, 0))],
        out_specs=pl.BlockSpec((1, c, p), lambda i: (i, 0, 0)),
        scratch_shapes=[pltpu.VMEM((c, p), jnp.int32)],
    )(xr)


def kernel(x, tau):
    n, c, h, w = x.shape
    xr = x.reshape(n, c, h * w)
    sparse_sc = _sc_topk(xr)
    sparse_tc = _tc_topk(xr, n - _NSC)
    sparse = jnp.concatenate([sparse_tc, sparse_sc], axis=0).reshape(n, c, h, w)
    tau_arr = jnp.asarray(tau)
    tau_f = tau_arr.astype(x.dtype)
    blended = sparse * tau_f + x * (1.0 - tau_f)
    return jnp.where(tau_arr == 1, sparse, blended)

# --- scband reference (transcript-rebuilt; emitter-appended) ---
"""Pipeline reference for scband-sparsify-ch-74775380623607 (READ-ONLY COPY).

The authoritative reference and input builder live on the scoring server;
editing this copy changes nothing except your own understanding.
"""

import jax, jax.numpy as jnp
import numpy as np

TOPK = 0.25

def setup_inputs(seed: int = 0) -> dict:
    key = jax.random.key(seed)
    x = jax.random.normal(key, (16, 384, 32, 32), dtype=jnp.float32)
    return {"x": x, "tau": 1}


def reference(x, tau):
    n, c, h, w = x.shape
    k = max(int(TOPK * c), 1)
    # torch.topk(x.abs(), k, dim=1) -> move channel axis last for lax.top_k
    xt = jnp.moveaxis(jnp.abs(x), 1, -1)  # (n, h, w, c)
    _, idx = jax.lax.top_k(xt, k)  # idx: (n, h, w, k), values in [0, c)
    ii = jnp.arange(n)[:, None, None, None]
    jj = jnp.arange(h)[None, :, None, None]
    kk = jnp.arange(w)[None, None, :, None]
    mask = jnp.zeros((n, h, w, c), x.dtype).at[ii, jj, kk, idx].set(1.0)
    mask = jnp.moveaxis(mask, -1, 1)  # (n, c, h, w)
    sparse_x = mask * x
    sparse_out = sparse_x.reshape(n, c, h, w)
    tau_f = jnp.asarray(tau, x.dtype)
    blended = sparse_out * tau_f + x * (1.0 - tau_f)
    return jnp.where(tau == 1, sparse_out, blended)

if __name__ == "__main__":
    import jax
    _d = setup_inputs()
    print(jax.jit(kernel)(*tuple(_d.values())))

</pallas_src>

<mosaic_0001>
#map = affine_map<(d0, d1) -> (0, 0, 0)>
module attributes {stable_mosaic.version = 14 : i64} {
  func.func @body(%arg0: i32, %arg1: i32, %arg2: memref<16x384x1024xf32, #tpu.memory_space<hbm>>, %arg3: memref<4x384x1024xf32, #tpu.memory_space<hbm>>, %arg4: memref<384x128xf32, #tpu.memory_space<vmem>>, %arg5: memref<2048xi32, #tpu.memory_space<vmem>>, %arg6: memref<6144xi32, #tpu.memory_space<vmem>>, %arg7: memref<6144xi32, #tpu.memory_space<vmem>>) attributes {dimension_semantics = [#tpu.dimension_semantics<core_parallel>, #tpu.dimension_semantics<subcore_parallel>], iteration_bounds = array<i64: 2, 16>, scalar_prefetch = 0 : i64, scratch_operands = 4 : i64, tpu.core_type = #tpu.core_type<sc_vector_subcore>, window_params = [{transform_indices = #map}, {transform_indices = #map}]} {
    %mul3A = arith.constant 2 : i32
    %mul3A_0 = arith.muli %arg1, %mul3A : i32
    %add3A = arith.addi %mul3A_0, %arg0 : i32
    %scan3A = arith.constant 0 : i32
    %scan3A_1 = arith.constant 0 : i32
    %mul3A_2 = arith.constant 1 : i32
    %mul3A_3 = arith.muli %add3A, %mul3A_2 : i32
    %add3A_4 = arith.constant 96 : i32
    %add3A_5 = arith.addi %add3A_4, %mul3A_3 : i32
    %add3A_6 = arith.addi %add3A_5, %scan3A_1 : i32
    %jit3A = arith.constant 8 : i32
    %div3A = arith.divsi %add3A_6, %jit3A : i32
    %sign3A = arith.constant 0 : i32
    %sign3A_7 = arith.cmpi sgt, %add3A_6, %sign3A : i32
    %sign3A_8 = arith.extui %sign3A_7 : i1 to i32
    %sign3A_9 = arith.constant 0 : i32
    %sign3A_10 = arith.cmpi slt, %add3A_6, %sign3A_9 : i32
    %sign3A_11 = arith.extui %sign3A_10 : i1 to i32
    %sign3A_12 = arith.subi %sign3A_8, %sign3A_11 : i32
    %sign3A_13 = arith.constant 0 : i32
    %sign3A_14 = arith.cmpi sgt, %jit3A, %sign3A_13 : i32
    %sign3A_15 = arith.extui %sign3A_14 : i1 to i32
    %sign3A_16 = arith.constant 0 : i32
    %sign3A_17 = arith.cmpi slt, %jit3A, %sign3A_16 : i32
    %sign3A_18 = arith.extui %sign3A_17 : i1 to i32
    %sign3A_19 = arith.subi %sign3A_15, %sign3A_18 : i32
    %ne3A = arith.cmpi ne, %sign3A_12, %sign3A_19 : i32
    %rem3A = arith.remsi %add3A_6, %jit3A : i32
    %ne3A_20 = arith.constant 0 : i32
    %ne3A_21 = arith.cmpi ne, %rem3A, %ne3A_20 : i32
    %and3A = arith.andi %ne3A, %ne3A_21 : i1
    %sub3A = arith.constant 1 : i32
    %sub3A_22 = arith.subi %div3A, %sub3A : i32
    %select_n3A = arith.select %and3A, %sub3A_22, %div3A : i32
    %jit3A_23 = arith.constant 8 : i32
    %eq3A = arith.constant 0 : i32
    %eq3A_24 = arith.cmpi eq, %jit3A_23, %eq3A : i32
    %jit3A_25 = arith.constant 1 : i32
    %select_n3A_26 = arith.select %eq3A_24, %jit3A_25, %jit3A_23 : i32
    %rem3A_27 = arith.remsi %add3A_6, %select_n3A_26 : i32
    %ne3A_28 = arith.constant 0 : i32
    %ne3A_29 = arith.cmpi ne, %rem3A_27, %ne3A_28 : i32
    %lt3A = arith.constant 0 : i32
    %lt3A_30 = arith.cmpi slt, %rem3A_27, %lt3A : i32
    %lt3A_31 = arith.constant 0 : i32
    %lt3A_32 = arith.cmpi slt, %select_n3A_26, %lt3A_31 : i32
    %ne3A_33 = arith.xori %lt3A_30, %lt3A_32 : i1
    %and3A_34 = arith.andi %ne3A_33, %ne3A_29 : i1
    %add3A_35 = arith.addi %rem3A_27, %select_n3A_26 : i32
    %select_n3A_36 = arith.select %and3A_34, %add3A_35, %rem3A_27 : i32
    %mul3A_37 = arith.constant 128 : i32
    %mul3A_38 = arith.muli %select_n3A_36, %mul3A_37 : i32
    "tpu.region"() ({
      %run_scoped3A = tpu.sem_alloc : memref<!tpu.dma_semaphore, #tpu.memory_space<semaphore_mem>>
      %dma_start3A = arith.constant 0 : i32
      %dma_start3A_50 = tpu.memref_slice %arg2[%select_n3A, %dma_start3A, %mul3A_38] : memref<16x384x1024xf32, #tpu.memory_space<hbm>> -> memref<1x384x128xf32, #tpu.memory_space<hbm>>
      %dma_start3A_51 = tpu.memref_squeeze %dma_start3A_50 : memref<1x384x128xf32, #tpu.memory_space<hbm>> -> memref<384x128xf32, #tpu.memory_space<hbm>>
      %dma_start3A_52 = arith.constant 0 : i32
      %dma_start3A_53 = tpu.memref_slice %arg2[%select_n3A, %dma_start3A_52, %mul3A_38] : memref<16x384x1024xf32, #tpu.memory_space<hbm>> -> memref<1x384x128xf32, #tpu.memory_space<hbm>>
      %dma_start3A_54 = tpu.memref_squeeze %dma_start3A_53 : memref<1x384x128xf32, #tpu.memory_space<hbm>> -> memref<384x128xf32, #tpu.memory_space<hbm>>
      tpu.enqueue_dma source(%dma_start3A_54 : memref<384x128xf32, #tpu.memory_space<hbm>>) target(%arg4 : memref<384x128xf32, #tpu.memory_space<vmem>>) target_semaphore(%run_scoped3A : memref<!tpu.dma_semaphore, #tpu.memory_space<semaphore_mem>>)
      %dma_wait3A = arith.constant 0 : i32
      %dma_wait3A_55 = tpu.memref_slice %arg2[%select_n3A, %dma_wait3A, %mul3A_38] : memref<16x384x1024xf32, #tpu.memory_space<hbm>> -> memref<1x384x128xf32, #tpu.memory_space<hbm>>
      %dma_wait3A_56 = tpu.memref_squeeze %dma_wait3A_55 : memref<1x384x128xf32, #tpu.memory_space<hbm>> -> memref<384x128xf32, #tpu.memory_space<hbm>>
      %dma_wait3A_57 = arith.constant 0 : i32
      %dma_wait3A_58 = tpu.memref_slice %arg2[%select_n3A, %dma_wait3A_57, %mul3A_38] : memref<16x384x1024xf32, #tpu.memory_space<hbm>> -> memref<1x384x128xf32, #tpu.memory_space<hbm>>
      %dma_wait3A_59 = tpu.memref_squeeze %dma_wait3A_58 : memref<1x384x128xf32, #tpu.memory_space<hbm>> -> memref<384x128xf32, #tpu.memory_space<hbm>>
      tpu.wait_dma2 semaphore(%run_scoped3A : memref<!tpu.dma_semaphore, #tpu.memory_space<semaphore_mem>>) src(%dma_wait3A_59 : memref<384x128xf32, #tpu.memory_space<hbm>>) dst(%arg4 : memref<384x128xf32, #tpu.memory_space<vmem>>)
      tpu.yield
    }) : () -> ()
    %scan3A_39 = arith.constant 0 : i32
    %scan3A_40 = arith.constant 0 : i32
    %scan3A_41 = arith.constant 8 : i32
    %scan3A_42 = arith.addi %scan3A_40, %scan3A_41 : i32
    %scan3A_43 = arith.constant 1 : i32
    %scan3A_44 = scf.for %scan3A_50 = %scan3A_40 to %scan3A_42 step %scan3A_43 iter_args(%scan3A_51 = %scan3A_39) -> (i32)  : i32 {
      %mul3A_52 = arith.constant 16 : i32
      %mul3A_53 = arith.muli %scan3A_50, %mul3A_52 : i32
      %iota3A = tpu.iota {dimensions = array<i32: 0>} : vector<16xi32>
      %broadcast_in_dim3A = arith.constant 0 : i32
      %broadcast_in_dim3A_54 = vector.broadcast %broadcast_in_dim3A : i32 to vector<16xi32>
      %broadcast_in_dim3A_55 = arith.constant 1 : i32
      %broadcast_in_dim3A_56 = vector.broadcast %broadcast_in_dim3A_55 : i32 to vector<16xi32>
      %scan3A_57 = arith.constant 0 : i32
      %scan3A_58 = arith.constant 0 : i32
      %scan3A_59 = arith.constant 8 : i32
      %scan3A_60 = arith.addi %scan3A_58, %scan3A_59 : i32
      %scan3A_61 = arith.constant 1 : i32
      %scan3A_62 = scf.for %scan3A_162 = %scan3A_58 to %scan3A_60 step %scan3A_61 iter_args(%scan3A_163 = %scan3A_57) -> (i32)  : i32 {
        %mul3A_164 = arith.constant 8 : i32
        %mul3A_165 = arith.muli %scan3A_162, %mul3A_164 : i32
        %add3A_166 = arith.constant 0 : i32
        %add3A_167 = arith.addi %mul3A_165, %add3A_166 : i32
        %mul3A_168 = arith.constant 16 : i32
        %mul3A_169 = arith.muli %add3A_167, %mul3A_168 : i32
        %swap3A = arith.index_cast %mul3A_169 : i32 to index
        %swap3A_170 = tpu.vector_load %arg5[%swap3A] {strides = array<i32>} : memref<2048xi32, #tpu.memory_space<vmem>>, vector<16xi32>,
        tpu.vector_store %arg5[%swap3A], %broadcast_in_dim3A_54 {strides = array<i32>} : memref<2048xi32, #tpu.memory_space<vmem>>, vector<16xi32>,
        %mul3A_171 = arith.constant 8 : i32
        %mul3A_172 = arith.muli %scan3A_162, %mul3A_171 : i32
        %add3A_173 = arith.constant 1 : i32
        %add3A_174 = arith.addi %mul3A_172, %add3A_173 : i32
        %mul3A_175 = arith.constant 16 : i32
        %mul3A_176 = arith.muli %add3A_174, %mul3A_175 : i32
        %swap3A_177 = arith.index_cast %mul3A_176 : i32 to index
        %swap3A_178 = tpu.vector_load %arg5[%swap3A_177] {strides = array<i32>} : memref<2048xi32, #tpu.memory_space<vmem>>, vector<16xi32>,
        tpu.vector_store %arg5[%swap3A_177], %broadcast_in_dim3A_54 {strides = array<i32>} : memref<2048xi32, #tpu.memory_space<vmem>>, vector<16xi32>,
        %mul3A_179 = arith.constant 8 : i32
        %mul3A_180 = arith.muli %scan3A_162, %mul3A_179 : i32
        %add3A_181 = arith.constant 2 : i32
        %add3A_182 = arith.addi %mul3A_180, %add3A_181 : i32
        %mul3A_183 = arith.constant 16 : i32
        %mul3A_184 = arith.muli %add3A_182, %mul3A_183 : i32
        %swap3A_185 = arith.index_cast %mul3A_184 : i32 to index
        %swap3A_186 = tpu.vector_load %arg5[%swap3A_185] {strides = array<i32>} : memref<2048xi32, #tpu.memory_space<vmem>>, vector<16xi32>,
        tpu.vector_store %arg5[%swap3A_185], %broadcast_in_dim3A_54 {strides = array<i32>} : memref<2048xi32, #tpu.memory_space<vmem>>, vector<16xi32>,
        %mul3A_187 = arith.constant 8 : i32
        %mul3A_188 = arith.muli %scan3A_162, %mul3A_187 : i32
        %add3A_189 = arith.constant 3 : i32
        %add3A_190 = arith.addi %mul3A_188, %add3A_189 : i32
        %mul3A_191 = arith.constant 16 : i32
        %mul3A_192 = arith.muli %add3A_190, %mul3A_191 : i32
        %swap3A_193 = arith.index_cast %mul3A_192 : i32 to index
        %swap3A_194 = tpu.vector_load %arg5[%swap3A_193] {strides = array<i32>} : memref<2048xi32, #tpu.memory_space<vmem>>, vector<16xi32>,
        tpu.vector_store %arg5[%swap3A_193], %broadcast_in_dim3A_54 {strides = array<i32>} : memref<2048xi32, #tpu.memory_space<vmem>>, vector<16xi32>,
        %mul3A_195 = arith.constant 8 : i32
        %mul3A_196 = arith.muli %scan3A_162, %mul3A_195 : i32
        %add3A_197 = arith.constant 4 : i32
        %add3A_198 = arith.addi %mul3A_196, %add3A_197 : i32
        %mul3A_199 = arith.constant 16 : i32
        %mul3A_200 = arith.muli %add3A_198, %mul3A_199 : i32
        %swap3A_201 = arith.index_cast %mul3A_200 : i32 to index
        %swap3A_202 = tpu.vector_load %arg5[%swap3A_201] {strides = array<i32>} : memref<2048xi32, #tpu.memory_space<vmem>>, vector<16xi32>,
        tpu.vector_store %arg5[%swap3A_201], %broadcast_in_dim3A_54 {strides = array<i32>} : memref<2048xi32, #tpu.memory_space<vmem>>, vector<16xi32>,
        %mul3A_203 = arith.constant 8 : i32
        %mul3A_204 = arith.muli %scan3A_162, %mul3A_203 : i32
        %add3A_205 = arith.constant 5 : i32
        %add3A_206 = arith.addi %mul3A_204, %add3A_205 : i32
        %mul3A_207 = arith.constant 16 : i32
        %mul3A_208 = arith.muli %add3A_206, %mul3A_207 : i32
        %swap3A_209 = arith.index_cast %mul3A_208 : i32 to index
        %swap3A_210 = tpu.vector_load %arg5[%swap3A_209] {strides = array<i32>} : memref<2048xi32, #tpu.memory_space<vmem>>, vector<16xi32>,
        tpu.vector_store %arg5[%swap3A_209], %broadcast_in_dim3A_54 {strides = array<i32>} : memref<2048xi32, #tpu.memory_space<vmem>>, vector<16xi32>,
        %mul3A_211 = arith.constant 8 : i32
        %mul3A_212 = arith.muli %scan3A_162, %mul3A_211 : i32
        %add3A_213 = arith.constant 6 : i32
        %add3A_214 = arith.addi %mul3A_212, %add3A_213 : i32
        %mul3A_215 = arith.constant 16 : i32
        %mul3A_216 = arith.muli %add3A_214, %mul3A_215 : i32
        %swap3A_217 = arith.index_cast %mul3A_216 : i32 to index
        %swap3A_218 = tpu.vector_load %arg5[%swap3A_217] {strides = array<i32>} : memref<2048xi32, #tpu.memory_space<vmem>>, vector<16xi32>,
        tpu.vector_store %arg5[%swap3A_217], %broadcast_in_dim3A_54 {strides = array<i32>} : memref<2048xi32, #tpu.memory_space<vmem>>, vector<16xi32>,
        %mul3A_219 = arith.constant 8 : i32
        %mul3A_220 = arith.muli %scan3A_162, %mul3A_219 : i32
        %add3A_221 = arith.constant 7 : i32
        %add3A_222 = arith.addi %mul3A_220, %add3A_221 : i32
        %mul3A_223 = arith.constant 16 : i32
        %mul3A_224 = arith.muli %add3A_222, %mul3A_223 : i32
        %swap3A_225 = arith.index_cast %mul3A_224 : i32 to index
        %swap3A_226 = tpu.vector_load %arg5[%swap3A_225] {strides = array<i32>} : memref<2048xi32, #tpu.memory_space<vmem>>, vector<16xi32>,
        tpu.vector_store %arg5[%swap3A_225], %broadcast_in_dim3A_54 {strides = array<i32>} : memref<2048xi32, #tpu.memory_space<vmem>>, vector<16xi32>,
        %scan3A_227 = arith.constant 0 : i32
        scf.yield %scan3A_227 : i32
      }
      %scan3A_63 = arith.constant 8 : i32
      %scan3A_64 = arith.constant 0 : i32
      %scan3A_65 = arith.constant 0 : i32
      %scan3A_66 = arith.constant 48 : i32
      %scan3A_67 = arith.addi %scan3A_65, %scan3A_66 : i32
      %scan3A_68 = arith.constant 1 : i32
      %scan3A_69 = scf.for %scan3A_162 = %scan3A_65 to %scan3A_67 step %scan3A_68 iter_args(%scan3A_163 = %scan3A_64) -> (i32)  : i32 {
        %mul3A_164 = arith.constant 8 : i32
        %mul3A_165 = arith.muli %scan3A_162, %mul3A_164 : i32
        %add3A_166 = arith.constant 0 : i32
        %add3A_167 = arith.addi %mul3A_165, %add3A_166 : i32
        %get3A = arith.index_cast %add3A_167 : i32 to index
        %get3A_168 = arith.index_cast %mul3A_53 : i32 to index
        %get3A_169 = tpu.vector_load %arg4[%get3A, %get3A_168] {strides = array<i32>} : memref<384x128xf32, #tpu.memory_space<vmem>>, vector<16xf32>,
        %bitcast_convert_type3A = tpu.bitcast %get3A_169 : vector<16xf32> -> vector<16xi32>
        %and3A_170 = arith.constant 2147483647 : i32
        %and3A_171 = vector.broadcast %and3A_170 : i32 to vector<16xi32>
        %and3A_172 = arith.andi %bitcast_convert_type3A, %and3A_171 : vector<16xi32>
        %shift_right_arithmetic3A_173 = arith.constant 23 : i32
        %shift_right_arithmetic3A_174 = vector.broadcast %shift_right_arithmetic3A_173 : i32 to vector<16xi32>
        %shift_right_arithmetic3A_175 = arith.shrsi %and3A_172, %shift_right_arithmetic3A_174 : vector<16xi32>
        %sub3A_176 = arith.constant 67 : i32
        %sub3A_177 = vector.broadcast %sub3A_176 : i32 to vector<16xi32>
        %sub3A_178 = arith.subi %shift_right_arithmetic3A_175, %sub3A_177 : vector<16xi32>
        %jit3A_179 = arith.constant 0 : i32
        %jit3A_180 = arith.constant 63 : i32
        %max3A = vector.broadcast %jit3A_179 : i32 to vector<16xi32>
        %max3A_181 = arith.maxsi %max3A, %sub3A_178 : vector<16xi32>
        %min3A = vector.broadcast %jit3A_180 : i32 to vector<16xi32>
        %min3A_182 = arith.minsi %min3A, %max3A_181 : vector<16xi32>
        %mul3A_183 = arith.constant 16 : i32
        %mul3A_184 = vector.broadcast %mul3A_183 : i32 to vector<16xi32>
        %mul3A_185 = arith.muli %min3A_182, %mul3A_184 : vector<16xi32>
        %add3A_186 = arith.addi %mul3A_185, %iota3A : vector<16xi32>
        tpu.vector_store_idx %arg5[%add3A_186], %broadcast_in_dim3A_56 {add = true} : memref<2048xi32, #tpu.memory_space<vmem>>[vector<16xi32>], vector<16xi32>,
        %mul3A_187 = arith.constant 8 : i32
        %mul3A_188 = arith.muli %scan3A_162, %mul3A_187 : i32
        %add3A_189 = arith.constant 1 : i32
        %add3A_190 = arith.addi %mul3A_188, %add3A_189 : i32
        %get3A_191 = arith.index_cast %add3A_190 : i32 to index
        %get3A_192 = arith.index_cast %mul3A_53 : i32 to index
        %get3A_193 = tpu.vector_load %arg4[%get3A_191, %get3A_192] {strides = array<i32>} : memref<384x128xf32, #tpu.memory_space<vmem>>, vector<16xf32>,
        %bitcast_convert_type3A_194 = tpu.bitcast %get3A_193 : vector<16xf32> -> vector<16xi32>
        %and3A_195 = arith.constant 2147483647 : i32
        %and3A_196 = vector.broadcast %and3A_195 : i32 to vector<16xi32>
        %and3A_197 = arith.andi %bitcast_convert_type3A_194, %and3A_196 : vector<16xi32>
        %shift_right_arithmetic3A_198 = arith.constant 23 : i32
        %shift_right_arithmetic3A_199 = vector.broadcast %shift_right_arithmetic3A_198 : i32 to vector<16xi32>
        %shift_right_arithmetic3A_200 = arith.shrsi %and3A_197, %shift_right_arithmetic3A_199 : vector<16xi32>
        %sub3A_201 = arith.constant 67 : i32
        %sub3A_202 = vector.broadcast %sub3A_201 : i32 to vector<16xi32>
        %sub3A_203 = arith.subi %shift_right_arithmetic3A_200, %sub3A_202 : vector<16xi32>
        %jit3A_204 = arith.constant 0 : i32
        %jit3A_205 = arith.constant 63 : i32
        %max3A_206 = vector.broadcast %jit3A_204 : i32 to vector<16xi32>
        %max3A_207 = arith.maxsi %max3A_206, %sub3A_203 : vector<16xi32>
        %min3A_208 = vector.broadcast %jit3A_205 : i32 to vector<16xi32>
        %min3A_209 = arith.minsi %min3A_208, %max3A_207 : vector<16xi32>
        %mul3A_210 = arith.constant 16 : i32
        %mul3A_211 = vector.broadcast %mul3A_210 : i32 to vector<16xi32>
        %mul3A_212 = arith.muli %min3A_209, %mul3A_211 : vector<16xi32>
        %add3A_213 = arith.addi %mul3A_212, %iota3A : vector<16xi32>
        tpu.vector_store_idx %arg5[%add3A_213], %broadcast_in_dim3A_56 {add = true} : memref<2048xi32, #tpu.memory_space<vmem>>[vector<16xi32>], vector<16xi32>,
        %mul3A_214 = arith.constant 8 : i32
        %mul3A_215 = arith.muli %scan3A_162, %mul3A_214 : i32
        %add3A_216 = arith.constant 2 : i32
        %add3A_217 = arith.addi %mul3A_215, %add3A_216 : i32
        %get3A_218 = arith.index_cast %add3A_217 : i32 to index
        %get3A_219 = arith.index_cast %mul3A_53 : i32 to index
        %get3A_220 = tpu.vector_load %arg4[%get3A_218, %get3A_219] {strides = array<i32>} : memref<384x128xf32, #tpu.memory_space<vmem>>, vector<16xf32>,
        %bitcast_convert_type3A_221 = tpu.bitcast %get3A_220 : vector<16xf32> -> vector<16xi32>
        %and3A_222 = arith.constant 2147483647 : i32
        %and3A_223 = vector.broadcast %and3A_222 : i32 to vector<16xi32>
        %and3A_224 = arith.andi %bitcast_convert_type3A_221, %and3A_223 : vector<16xi32>
        %shift_right_arithmetic3A_225 = arith.constant 23 : i32
        %shift_right_arithmetic3A_226 = vector.broadcast %shift_right_arithmetic3A_225 : i32 to vector<16xi32>
        %shift_right_arithmetic3A_227 = arith.shrsi %and3A_224, %shift_right_arithmetic3A_226 : vector<16xi32>
        %sub3A_228 = arith.constant 67 : i32
        %sub3A_229 = vector.broadcast %sub3A_228 : i32 to vector<16xi32>
        %sub3A_230 = arith.subi %shift_right_arithmetic3A_227, %sub3A_229 : vector<16xi32>
        %jit3A_231 = arith.constant 0 : i32
        %jit3A_232 = arith.constant 63 : i32
        %max3A_233 = vector.broadcast %jit3A_231 : i32 to vector<16xi32>
        %max3A_234 = arith.maxsi %max3A_233, %sub3A_230 : vector<16xi32>
        %min3A_235 = vector.broadcast %jit3A_232 : i32 to vector<16xi32>
        %min3A_236 = arith.minsi %min3A_235, %max3A_234 : vector<16xi32>
        %mul3A_237 = arith.constant 16 : i32
        %mul3A_238 = vector.broadcast %mul3A_237 : i32 to vector<16xi32>
        %mul3A_239 = arith.muli %min3A_236, %mul3A_238 : vector<16xi32>
        %add3A_240 = arith.addi %mul3A_239, %iota3A : vector<16xi32>
        tpu.vector_store_idx %arg5[%add3A_240], %broadcast_in_dim3A_56 {add = true} : memref<2048xi32, #tpu.memory_space<vmem>>[vector<16xi32>], vector<16xi32>,
        %mul3A_241 = arith.constant 8 : i32
        %mul3A_242 = arith.muli %scan3A_162, %mul3A_241 : i32
        %add3A_243 = arith.constant 3 : i32
        %add3A_244 = arith.addi %mul3A_242, %add3A_243 : i32
        %get3A_245 = arith.index_cast %add3A_244 : i32 to index
        %get3A_246 = arith.index_cast %mul3A_53 : i32 to index
        %get3A_247 = tpu.vector_load %arg4[%get3A_245, %get3A_246] {strides = array<i32>} : memref<384x128xf32, #tpu.memory_space<vmem>>, vector<16xf32>,
        %bitcast_convert_type3A_248 = tpu.bitcast %get3A_247 : vector<16xf32> -> vector<16xi32>
        %and3A_249 = arith.constant 2147483647 : i32
        %and3A_250 = vector.broadcast %and3A_249 : i32 to vector<16xi32>
        %and3A_251 = arith.andi %bitcast_convert_type3A_248, %and3A_250 : vector<16xi32>
        %shift_right_arithmetic3A_252 = arith.constant 23 : i32
        %shift_right_arithmetic3A_253 = vector.broadcast %shift_right_arithmetic3A_252 : i32 to vector<16xi32>
        %shift_right_arithmetic3A_254 = arith.shrsi %and3A_251, %shift_right_arithmetic3A_253 : vector<16xi32>
        %sub3A_255 = arith.constant 67 : i32
        %sub3A_256 = vector.broadcast %sub3A_255 : i32 to vector<16xi32>
        %sub3A_257 = arith.subi %shift_right_arithmetic3A_254, %sub3A_256 : vector<16xi32>
        %jit3A_258 = arith.constant 0 : i32
        %jit3A_259 = arith.constant 63 : i32
        %max3A_260 = vector.broadcast %jit3A_258 : i32 to vector<16xi32>
        %max3A_261 = arith.maxsi %max3A_260, %sub3A_257 : vector<16xi32>
        %min3A_262 = vector.broadcast %jit3A_259 : i32 to vector<16xi32>
        %min3A_263 = arith.minsi %min3A_262, %max3A_261 : vector<16xi32>
        %mul3A_264 = arith.constant 16 : i32
        %mul3A_265 = vector.broadcast %mul3A_264 : i32 to vector<16xi32>
        %mul3A_266 = arith.muli %min3A_263, %mul3A_265 : vector<16xi32>
        %add3A_267 = arith.addi %mul3A_266, %iota3A : vector<16xi32>
        tpu.vector_store_idx %arg5[%add3A_267], %broadcast_in_dim3A_56 {add = true} : memref<2048xi32, #tpu.memory_space<vmem>>[vector<16xi32>], vector<16xi32>,
        %mul3A_268 = arith.constant 8 : i32
        %mul3A_269 = arith.muli %scan3A_162, %mul3A_268 : i32
        %add3A_270 = arith.constant 4 : i32
        %add3A_271 = arith.addi %mul3A_269, %add3A_270 : i32
        %get3A_272 = arith.index_cast %add3A_271 : i32 to index
        %get3A_273 = arith.index_cast %mul3A_53 : i32 to index
        %get3A_274 = tpu.vector_load %arg4[%get3A_272, %get3A_273] {strides = array<i32>} : memref<384x128xf32, #tpu.memory_space<vmem>>, vector<16xf32>,
        %bitcast_convert_type3A_275 = tpu.bitcast %get3A_274 : vector<16xf32> -> vector<16xi32>
        %and3A_276 = arith.constant 2147483647 : i32
        %and3A_277 = vector.broadcast %and3A_276 : i32 to vector<16xi32>
        %and3A_278 = arith.andi %bitcast_convert_type3A_275, %and3A_277 : vector<16xi32>
        %shift_right_arithmetic3A_279 = arith.constant 23 : i32
        %shift_right_arithmetic3A_280 = vector.broadcast %shift_right_arithmetic3A_279 : i32 to vector<16xi32>
        %shift_right_arithmetic3A_281 = arith.shrsi %and3A_278, %shift_right_arithmetic3A_280 : vector<16xi32>
        %sub3A_282 = arith.constant 67 : i32
        %sub3A_283 = vector.broadcast %sub3A_282 : i32 to vector<16xi32>
        %sub3A_284 = arith.subi %shift_right_arithmetic3A_281, %sub3A_283 : vector<16xi32>
        %jit3A_285 = arith.constant 0 : i32
        %jit3A_286 = arith.constant 63 : i32
        %max3A_287 = vector.broadcast %jit3A_285 : i32 to vector<16xi32>
        %max3A_288 = arith.maxsi %max3A_287, %sub3A_284 : vector<16xi32>
        %min3A_289 = vector.broadcast %jit3A_286 : i32 to vector<16xi32>
        %min3A_290 = arith.minsi %min3A_289, %max3A_288 : vector<16xi32>
        %mul3A_291 = arith.constant 16 : i32
        %mul3A_292 = vector.broadcast %mul3A_291 : i32 to vector<16xi32>
        %mul3A_293 = arith.muli %min3A_290, %mul3A_292 : vector<16xi32>
        %add3A_294 = arith.addi %mul3A_293, %iota3A : vector<16xi32>
        tpu.vector_store_idx %arg5[%add3A_294], %broadcast_in_dim3A_56 {add = true} : memref<2048xi32, #tpu.memory_space<vmem>>[vector<16xi32>], vector<16xi32>,
        %mul3A_295 = arith.constant 8 : i32
        %mul3A_296 = arith.muli %scan3A_162, %mul3A_295 : i32
        %add3A_297 = arith.constant 5 : i32
        %add3A_298 = arith.addi %mul3A_296, %add3A_297 : i32
        %get3A_299 = arith.index_cast %add3A_298 : i32 to index
        %get3A_300 = arith.index_cast %mul3A_53 : i32 to index
        %get3A_301 = tpu.vector_load %arg4[%get3A_299, %get3A_300] {strides = array<i32>} : memref<384x128xf32, #tpu.memory_space<vmem>>, vector<16xf32>,
        %bitcast_convert_type3A_302 = tpu.bitcast %get3A_301 : vector<16xf32> -> vector<16xi32>
        %and3A_303 = arith.constant 2147483647 : i32
        %and3A_304 = vector.broadcast %and3A_303 : i32 to vector<16xi32>
        %and3A_305 = arith.andi %bitcast_convert_type3A_302, %and3A_304 : vector<16xi32>
        %shift_right_arithmetic3A_306 = arith.constant 23 : i32
        %shift_right_arithmetic3A_307 = vector.broadcast %shift_right_arithmetic3A_306 : i32 to vector<16xi32>
        %shift_right_arithmetic3A_308 = arith.shrsi %and3A_305, %shift_right_arithmetic3A_307 : vector<16xi32>
        %sub3A_309 = arith.constant 67 : i32
        %sub3A_310 = vector.broadcast %sub3A_309 : i32 to vector<16xi32>
        %sub3A_311 = arith.subi %shift_right_arithmetic3A_308, %sub3A_310 : vector<16xi32>
        %jit3A_312 = arith.constant 0 : i32
        %jit3A_313 = arith.constant 63 : i32
        %max3A_314 = vector.broadcast %jit3A_312 : i32 to vector<16xi32>
        %max3A_315 = arith.maxsi %max3A_314, %sub3A_311 : vector<16xi32>
        %min3A_316 = vector.broadcast %jit3A_313 : i32 to vector<16xi32>
        %min3A_317 = arith.minsi %min3A_316, %max3A_315 : vector<16xi32>
        %mul3A_318 = arith.constant 16 : i32
        %mul3A_319 = vector.broadcast %mul3A_318 : i32 to vector<16xi32>
        %mul3A_320 = arith.muli %min3A_317, %mul3A_319 : vector<16xi32>
        %add3A_321 = arith.addi %mul3A_320, %iota3A : vector<16xi32>
        tpu.vector_store_idx %arg5[%add3A_321], %broadcast_in_dim3A_56 {add = true} : memref<2048xi32, #tpu.memory_space<vmem>>[vector<16xi32>], vector<16xi32>,
        %mul3A_322 = arith.constant 8 : i32
        %mul3A_323 = arith.muli %scan3A_162, %mul3A_322 : i32
        %add3A_324 = arith.constant 6 : i32
        %add3A_325 = arith.addi %mul3A_323, %add3A_324 : i32
        %get3A_326 = arith.index_cast %add3A_325 : i32 to index
        %get3A_327 = arith.index_cast %mul3A_53 : i32 to index
        %get3A_328 = tpu.vector_load %arg4[%get3A_326, %get3A_327] {strides = array<i32>} : memref<384x128xf32, #tpu.memory_space<vmem>>, vector<16xf32>,
        %bitcast_convert_type3A_329 = tpu.bitcast %get3A_328 : vector<16xf32> -> vector<16xi32>
        %and3A_330 = arith.constant 2147483647 : i32
        %and3A_331 = vector.broadcast %and3A_330 : i32 to vector<16xi32>
        %and3A_332 = arith.andi %bitcast_convert_type3A_329, %and3A_331 : vector<16xi32>
        %shift_right_arithmetic3A_333 = arith.constant 23 : i32
        %shift_right_arithmetic3A_334 = vector.broadcast %shift_right_arithmetic3A_333 : i32 to vector<16xi32>
        %shift_right_arithmetic3A_335 = arith.shrsi %and3A_332, %shift_right_arithmetic3A_334 : vector<16xi32>
        %sub3A_336 = arith.constant 67 : i32
        %sub3A_337 = vector.broadcast %sub3A_336 : i32 to vector<16xi32>
        %sub3A_338 = arith.subi %shift_right_arithmetic3A_335, %sub3A_337 : vector<16xi32>
        %jit3A_339 = arith.constant 0 : i32
        %jit3A_340 = arith.constant 63 : i32
        %max3A_341 = vector.broadcast %jit3A_339 : i32 to vector<16xi32>
        %max3A_342 = arith.maxsi %max3A_341, %sub3A_338 : vector<16xi32>
        %min3A_343 = vector.broadcast %jit3A_340 : i32 to vector<16xi32>
        %min3A_344 = arith.minsi %min3A_343, %max3A_342 : vector<16xi32>
        %mul3A_345 = arith.constant 16 : i32
        %mul3A_346 = vector.broadcast %mul3A_345 : i32 to vector<16xi32>
        %mul3A_347 = arith.muli %min3A_344, %mul3A_346 : vector<16xi32>
        %add3A_348 = arith.addi %mul3A_347, %iota3A : vector<16xi32>
        tpu.vector_store_idx %arg5[%add3A_348], %broadcast_in_dim3A_56 {add = true} : memref<2048xi32, #tpu.memory_space<vmem>>[vector<16xi32>], vector<16xi32>,
        %mul3A_349 = arith.constant 8 : i32
        %mul3A_350 = arith.muli %scan3A_162, %mul3A_349 : i32
        %add3A_351 = arith.constant 7 : i32
        %add3A_352 = arith.addi %mul3A_350, %add3A_351 : i32
        %get3A_353 = arith.index_cast %add3A_352 : i32 to index
        %get3A_354 = arith.index_cast %mul3A_53 : i32 to index
        %get3A_355 = tpu.vector_load %arg4[%get3A_353, %get3A_354] {strides = array<i32>} : memref<384x128xf32, #tpu.memory_space<vmem>>, vector<16xf32>,
        %bitcast_convert_type3A_356 = tpu.bitcast %get3A_355 : vector<16xf32> -> vector<16xi32>
        %and3A_357 = arith.constant 2147483647 : i32
        %and3A_358 = vector.broadcast %and3A_357 : i32 to vector<16xi32>
        %and3A_359 = arith.andi %bitcast_convert_type3A_356, %and3A_358 : vector<16xi32>
        %shift_right_arithmetic3A_360 = arith.constant 23 : i32
        %shift_right_arithmetic3A_361 = vector.broadcast %shift_right_arithmetic3A_360 : i32 to vector<16xi32>
        %shift_right_arithmetic3A_362 = arith.shrsi %and3A_359, %shift_right_arithmetic3A_361 : vector<16xi32>
        %sub3A_363 = arith.constant 67 : i32
        %sub3A_364 = vector.broadcast %sub3A_363 : i32 to vector<16xi32>
        %sub3A_365 = arith.subi %shift_right_arithmetic3A_362, %sub3A_364 : vector<16xi32>
        %jit3A_366 = arith.constant 0 : i32
        %jit3A_367 = arith.constant 63 : i32
        %max3A_368 = vector.broadcast %jit3A_366 : i32 to vector<16xi32>
        %max3A_369 = arith.maxsi %max3A_368, %sub3A_365 : vector<16xi32>
        %min3A_370 = vector.broadcast %jit3A_367 : i32 to vector<16xi32>
        %min3A_371 = arith.minsi %min3A_370, %max3A_369 : vector<16xi32>
        %mul3A_372 = arith.constant 16 : i32
        %mul3A_373 = vector.broadcast %mul3A_372 : i32 to vector<16xi32>
        %mul3A_374 = arith.muli %min3A_371, %mul3A_373 : vector<16xi32>
        %add3A_375 = arith.addi %mul3A_374, %iota3A : vector<16xi32>
        tpu.vector_store_idx %arg5[%add3A_375], %broadcast_in_dim3A_56 {add = true} : memref<2048xi32, #tpu.memory_space<vmem>>[vector<16xi32>], vector<16xi32>,
        %scan3A_376 = arith.constant 0 : i32
        scf.yield %scan3A_376 : i32
      }
      %scan3A_70 = arith.constant 48 : i32
      %scan3A_71 = arith.constant 0 : i32
      %scan3A_72 = arith.constant 16 : i32
      %scan3A_73 = arith.addi %scan3A_71, %scan3A_72 : i32
      %scan3A_74 = arith.constant 1 : i32
      %scan3A_75:4 = scf.for %scan3A_162 = %scan3A_71 to %scan3A_73 step %scan3A_74 iter_args(%scan3A_163 = %broadcast_in_dim3A_54, %scan3A_164 = %broadcast_in_dim3A_54, %scan3A_165 = %broadcast_in_dim3A_54, %scan3A_166 = %broadcast_in_dim3A_54) -> (vector<16xi32>, vector<16xi32>, vector<16xi32>, vector<16xi32>)  : i32 {
        %mul3A_167 = arith.constant 4 : i32
        %mul3A_168 = arith.muli %scan3A_162, %mul3A_167 : i32
        %add3A_169 = arith.constant 0 : i32
        %add3A_170 = arith.addi %mul3A_168, %add3A_169 : i32
        %sub3A_171 = arith.constant 63 : i32
        %sub3A_172 = arith.subi %sub3A_171, %add3A_170 : i32
        %mul3A_173 = arith.constant 16 : i32
        %mul3A_174 = arith.muli %sub3A_172, %mul3A_173 : i32
        %get3A = arith.index_cast %mul3A_174 : i32 to index
        %get3A_175 = tpu.vector_load %arg5[%get3A] {strides = array<i32>} : memref<2048xi32, #tpu.memory_space<vmem>>, vector<16xi32>,
        %add3A_176 = arith.addi %scan3A_163, %get3A_175 : vector<16xi32>
        %ge3A = arith.constant 96 : i32
        %ge3A_177 = vector.broadcast %ge3A : i32 to vector<16xi32>
        %ge3A_178 = arith.cmpi sge, %add3A_176, %ge3A_177 : vector<16xi32>
        %eq3A_179 = arith.constant 0 : i32
        %eq3A_180 = vector.broadcast %eq3A_179 : i32 to vector<16xi32>
        %eq3A_181 = arith.cmpi eq, %scan3A_166, %eq3A_180 : vector<16xi32>
        %and3A_182 = arith.andi %ge3A_178, %eq3A_181 : vector<16xi1>
        %broadcast_in_dim3A_183 = vector.broadcast %sub3A_172 : i32 to vector<16xi32>
        %select_n3A_184 = arith.select %and3A_182, %broadcast_in_dim3A_183, %scan3A_164 : vector<16xi1>, vector<16xi32>
        %select_n3A_185 = arith.select %and3A_182, %scan3A_163, %scan3A_165 : vector<16xi1>, vector<16xi32>
        %convert_element_type3A = arith.extui %and3A_182 : vector<16xi1> to vector<16xi32>
        %or3A_186 = arith.ori %scan3A_166, %convert_element_type3A : vector<16xi32>
        %mul3A_187 = arith.constant 4 : i32
        %mul3A_188 = arith.muli %scan3A_162, %mul3A_187 : i32
        %add3A_189 = arith.constant 1 : i32
        %add3A_190 = arith.addi %mul3A_188, %add3A_189 : i32
        %sub3A_191 = arith.constant 63 : i32
        %sub3A_192 = arith.subi %sub3A_191, %add3A_190 : i32
        %mul3A_193 = arith.constant 16 : i32
        %mul3A_194 = arith.muli %sub3A_192, %mul3A_193 : i32
        %get3A_195 = arith.index_cast %mul3A_194 : i32 to index
        %get3A_196 = tpu.vector_load %arg5[%get3A_195] {strides = array<i32>} : memref<2048xi32, #tpu.memory_space<vmem>>, vector<16xi32>,
        %add3A_197 = arith.addi %add3A_176, %get3A_196 : vector<16xi32>
        %ge3A_198 = arith.constant 96 : i32
        %ge3A_199 = vector.broadcast %ge3A_198 : i32 to vector<16xi32>
        %ge3A_200 = arith.cmpi sge, %add3A_197, %ge3A_199 : vector<16xi32>
        %eq3A_201 = arith.constant 0 : i32
        %eq3A_202 = vector.broadcast %eq3A_201 : i32 to vector<16xi32>
        %eq3A_203 = arith.cmpi eq, %or3A_186, %eq3A_202 : vector<16xi32>
        %and3A_204 = arith.andi %ge3A_200, %eq3A_203 : vector<16xi1>
        %broadcast_in_dim3A_205 = vector.broadcast %sub3A_192 : i32 to vector<16xi32>
        %select_n3A_206 = arith.select %and3A_204, %broadcast_in_dim3A_205, %select_n3A_184 : vector<16xi1>, vector<16xi32>
        %select_n3A_207 = arith.select %and3A_204, %add3A_176, %select_n3A_185 : vector<16xi1>, vector<16xi32>
        %convert_element_type3A_208 = arith.extui %and3A_204 : vector<16xi1> to vector<16xi32>
        %or3A_209 = arith.ori %or3A_186, %convert_element_type3A_208 : vector<16xi32>
        %mul3A_210 = arith.constant 4 : i32
        %mul3A_211 = arith.muli %scan3A_162, %mul3A_210 : i32
        %add3A_212 = arith.constant 2 : i32
        %add3A_213 = arith.addi %mul3A_211, %add3A_212 : i32
        %sub3A_214 = arith.constant 63 : i32
        %sub3A_215 = arith.subi %sub3A_214, %add3A_213 : i32
        %mul3A_216 = arith.constant 16 : i32
        %mul3A_217 = arith.muli %sub3A_215, %mul3A_216 : i32
        %get3A_218 = arith.index_cast %mul3A_217 : i32 to index
        %get3A_219 = tpu.vector_load %arg5[%get3A_218] {strides = array<i32>} : memref<2048xi32, #tpu.memory_space<vmem>>, vector<16xi32>,
        %add3A_220 = arith.addi %add3A_197, %get3A_219 : vector<16xi32>
        %ge3A_221 = arith.constant 96 : i32
        %ge3A_222 = vector.broadcast %ge3A_221 : i32 to vector<16xi32>
        %ge3A_223 = arith.cmpi sge, %add3A_220, %ge3A_222 : vector<16xi32>
        %eq3A_224 = arith.constant 0 : i32
        %eq3A_225 = vector.broadcast %eq3A_224 : i32 to vector<16xi32>
        %eq3A_226 = arith.cmpi eq, %or3A_209, %eq3A_225 : vector<16xi32>
        %and3A_227 = arith.andi %ge3A_223, %eq3A_226 : vector<16xi1>
        %broadcast_in_dim3A_228 = vector.broadcast %sub3A_215 : i32 to vector<16xi32>
        %select_n3A_229 = arith.select %and3A_227, %broadcast_in_dim3A_228, %select_n3A_206 : vector<16xi1>, vector<16xi32>
        %select_n3A_230 = arith.select %and3A_227, %add3A_197, %select_n3A_207 : vector<16xi1>, vector<16xi32>
        %convert_element_type3A_231 = arith.extui %and3A_227 : vector<16xi1> to vector<16xi32>
        %or3A_232 = arith.ori %or3A_209, %convert_element_type3A_231 : vector<16xi32>
        %mul3A_233 = arith.constant 4 : i32
        %mul3A_234 = arith.muli %scan3A_162, %mul3A_233 : i32
        %add3A_235 = arith.constant 3 : i32
        %add3A_236 = arith.addi %mul3A_234, %add3A_235 : i32
        %sub3A_237 = arith.constant 63 : i32
        %sub3A_238 = arith.subi %sub3A_237, %add3A_236 : i32
        %mul3A_239 = arith.constant 16 : i32
        %mul3A_240 = arith.muli %sub3A_238, %mul3A_239 : i32
        %get3A_241 = arith.index_cast %mul3A_240 : i32 to index
        %get3A_242 = tpu.vector_load %arg5[%get3A_241] {strides = array<i32>} : memref<2048xi32, #tpu.memory_space<vmem>>, vector<16xi32>,
        %add3A_243 = arith.addi %add3A_220, %get3A_242 : vector<16xi32>
        %ge3A_244 = arith.constant 96 : i32
        %ge3A_245 = vector.broadcast %ge3A_244 : i32 to vector<16xi32>
        %ge3A_246 = arith.cmpi sge, %add3A_243, %ge3A_245 : vector<16xi32>
        %eq3A_247 = arith.constant 0 : i32
        %eq3A_248 = vector.broadcast %eq3A_247 : i32 to vector<16xi32>
        %eq3A_249 = arith.cmpi eq, %or3A_232, %eq3A_248 : vector<16xi32>
        %and3A_250 = arith.andi %ge3A_246, %eq3A_249 : vector<16xi1>
        %broadcast_in_dim3A_251 = vector.broadcast %sub3A_238 : i32 to vector<16xi32>
        %select_n3A_252 = arith.select %and3A_250, %broadcast_in_dim3A_251, %select_n3A_229 : vector<16xi1>, vector<16xi32>
        %select_n3A_253 = arith.select %and3A_250, %add3A_220, %select_n3A_230 : vector<16xi1>, vector<16xi32>
        %convert_element_type3A_254 = arith.extui %and3A_250 : vector<16xi1> to vector<16xi32>
        %or3A_255 = arith.ori %or3A_232, %convert_element_type3A_254 : vector<16xi32>
        scf.yield %add3A_243, %select_n3A_252, %select_n3A_253, %or3A_255 : vector<16xi32>, vector<16xi32>, vector<16xi32>, vector<16xi32>
      }
      %scan3A_76 = arith.constant 16 : i32
      %sub3A_77 = arith.constant 96 : i32
      %sub3A_78 = vector.broadcast %sub3A_77 : i32 to vector<16xi32>
      %sub3A_79 = arith.subi %sub3A_78, %scan3A_75#2 : vector<16xi32>
      %scan3A_80 = arith.constant 0 : i32
      %scan3A_81 = arith.constant 48 : i32
      %scan3A_82 = arith.addi %scan3A_80, %scan3A_81 : i32
      %scan3A_83 = arith.constant 1 : i32
      %scan3A_84 = scf.for %scan3A_162 = %scan3A_80 to %scan3A_82 step %scan3A_83 iter_args(%scan3A_163 = %broadcast_in_dim3A_54) -> (vector<16xi32>)  : i32 {
        %mul3A_164 = arith.constant 8 : i32
        %mul3A_165 = arith.muli %scan3A_162, %mul3A_164 : i32
        %add3A_166 = arith.constant 0 : i32
        %add3A_167 = arith.addi %mul3A_165, %add3A_166 : i32
        %get3A = arith.index_cast %add3A_167 : i32 to index
        %get3A_168 = arith.index_cast %mul3A_53 : i32 to index
        %get3A_169 = tpu.vector_load %arg4[%get3A, %get3A_168] {strides = array<i32>} : memref<384x128xf32, #tpu.memory_space<vmem>>, vector<16xf32>,
        %bitcast_convert_type3A = tpu.bitcast %get3A_169 : vector<16xf32> -> vector<16xi32>
        %and3A_170 = arith.constant 2147483647 : i32
        %and3A_171 = vector.broadcast %and3A_170 : i32 to vector<16xi32>
        %and3A_172 = arith.andi %bitcast_convert_type3A, %and3A_171 : vector<16xi32>
        %shift_right_arithmetic3A_173 = arith.constant 23 : i32
        %shift_right_arithmetic3A_174 = vector.broadcast %shift_right_arithmetic3A_173 : i32 to vector<16xi32>
        %shift_right_arithmetic3A_175 = arith.shrsi %and3A_172, %shift_right_arithmetic3A_174 : vector<16xi32>
        %sub3A_176 = arith.constant 67 : i32
        %sub3A_177 = vector.broadcast %sub3A_176 : i32 to vector<16xi32>
        %sub3A_178 = arith.subi %shift_right_arithmetic3A_175, %sub3A_177 : vector<16xi32>
        %jit3A_179 = arith.constant 0 : i32
        %jit3A_180 = arith.constant 63 : i32
        %max3A = vector.broadcast %jit3A_179 : i32 to vector<16xi32>
        %max3A_181 = arith.maxsi %max3A, %sub3A_178 : vector<16xi32>
        %min3A = vector.broadcast %jit3A_180 : i32 to vector<16xi32>
        %min3A_182 = arith.minsi %min3A, %max3A_181 : vector<16xi32>
        %eq3A_183 = arith.cmpi eq, %min3A_182, %scan3A_75#1 : vector<16xi32>
        %mul3A_184 = arith.constant 16 : i32
        %mul3A_185 = vector.broadcast %mul3A_184 : i32 to vector<16xi32>
        %mul3A_186 = arith.muli %scan3A_163, %mul3A_185 : vector<16xi32>
        %add3A_187 = arith.addi %mul3A_186, %iota3A : vector<16xi32>
        %and3A_188 = arith.constant 8388607 : i32
        %and3A_189 = vector.broadcast %and3A_188 : i32 to vector<16xi32>
        %and3A_190 = arith.andi %and3A_172, %and3A_189 : vector<16xi32>
        tpu.vector_store_idx %arg6[%add3A_187], %and3A_190 masked %eq3A_183 : memref<6144xi32, #tpu.memory_space<vmem>>[vector<16xi32>], vector<16xi32>, vector<16xi1>
        %convert_element_type3A = arith.extui %eq3A_183 : vector<16xi1> to vector<16xi32>
        %add3A_191 = arith.addi %scan3A_163, %convert_element_type3A : vector<16xi32>
        %mul3A_192 = arith.constant 8 : i32
        %mul3A_193 = arith.muli %scan3A_162, %mul3A_192 : i32
        %add3A_194 = arith.constant 1 : i32
        %add3A_195 = arith.addi %mul3A_193, %add3A_194 : i32
        %get3A_196 = arith.index_cast %add3A_195 : i32 to index
        %get3A_197 = arith.index_cast %mul3A_53 : i32 to index
        %get3A_198 = tpu.vector_load %arg4[%get3A_196, %get3A_197] {strides = array<i32>} : memref<384x128xf32, #tpu.memory_space<vmem>>, vector<16xf32>,
        %bitcast_convert_type3A_199 = tpu.bitcast %get3A_198 : vector<16xf32> -> vector<16xi32>
        %and3A_200 = arith.constant 2147483647 : i32
        %and3A_201 = vector.broadcast %and3A_200 : i32 to vector<16xi32>
        %and3A_202 = arith.andi %bitcast_convert_type3A_199, %and3A_201 : vector<16xi32>
        %shift_right_arithmetic3A_203 = arith.constant 23 : i32
        %shift_right_arithmetic3A_204 = vector.broadcast %shift_right_arithmetic3A_203 : i32 to vector<16xi32>
        %shift_right_arithmetic3A_205 = arith.shrsi %and3A_202, %shift_right_arithmetic3A_204 : vector<16xi32>
        %sub3A_206 = arith.constant 67 : i32
        %sub3A_207 = vector.broadcast %sub3A_206 : i32 to vector<16xi32>
        %sub3A_208 = arith.subi %shift_right_arithmetic3A_205, %sub3A_207 : vector<16xi32>
        %jit3A_209 = arith.constant 0 : i32
        %jit3A_210 = arith.constant 63 : i32
        %max3A_211 = vector.broadcast %jit3A_209 : i32 to vector<16xi32>
        %max3A_212 = arith.maxsi %max3A_211, %sub3A_208 : vector<16xi32>
        %min3A_213 = vector.broadcast %jit3A_210 : i32 to vector<16xi32>
        %min3A_214 = arith.minsi %min3A_213, %max3A_212 : vector<16xi32>
        %eq3A_215 = arith.cmpi eq, %min3A_214, %scan3A_75#1 : vector<16xi32>
        %mul3A_216 = arith.constant 16 : i32
        %mul3A_217 = vector.broadcast %mul3A_216 : i32 to vector<16xi32>
        %mul3A_218 = arith.muli %add3A_191, %mul3A_217 : vector<16xi32>
        %add3A_219 = arith.addi %mul3A_218, %iota3A : vector<16xi32>
        %and3A_220 = arith.constant 8388607 : i32
        %and3A_221 = vector.broadcast %and3A_220 : i32 to vector<16xi32>
        %and3A_222 = arith.andi %and3A_202, %and3A_221 : vector<16xi32>
        tpu.vector_store_idx %arg6[%add3A_219], %and3A_222 masked %eq3A_215 : memref<6144xi32, #tpu.memory_space<vmem>>[vector<16xi32>], vector<16xi32>, vector<16xi1>
        %convert_element_type3A_223 = arith.extui %eq3A_215 : vector<16xi1> to vector<16xi32>
        %add3A_224 = arith.addi %add3A_191, %convert_element_type3A_223 : vector<16xi32>
        %mul3A_225 = arith.constant 8 : i32
        %mul3A_226 = arith.muli %scan3A_162, %mul3A_225 : i32
        %add3A_227 = arith.constant 2 : i32
        %add3A_228 = arith.addi %mul3A_226, %add3A_227 : i32
        %get3A_229 = arith.index_cast %add3A_228 : i32 to index
        %get3A_230 = arith.index_cast %mul3A_53 : i32 to index
        %get3A_231 = tpu.vector_load %arg4[%get3A_229, %get3A_230] {strides = array<i32>} : memref<384x128xf32, #tpu.memory_space<vmem>>, vector<16xf32>,
        %bitcast_convert_type3A_232 = tpu.bitcast %get3A_231 : vector<16xf32> -> vector<16xi32>
        %and3A_233 = arith.constant 2147483647 : i32
        %and3A_234 = vector.broadcast %and3A_233 : i32 to vector<16xi32>
        %and3A_235 = arith.andi %bitcast_convert_type3A_232, %and3A_234 : vector<16xi32>
        %shift_right_arithmetic3A_236 = arith.constant 23 : i32
        %shift_right_arithmetic3A_237 = vector.broadcast %shift_right_arithmetic3A_236 : i32 to vector<16xi32>
        %shift_right_arithmetic3A_238 = arith.shrsi %and3A_235, %shift_right_arithmetic3A_237 : vector<16xi32>
        %sub3A_239 = arith.constant 67 : i32
        %sub3A_240 = vector.broadcast %sub3A_239 : i32 to vector<16xi32>
        %sub3A_241 = arith.subi %shift_right_arithmetic3A_238, %sub3A_240 : vector<16xi32>
        %jit3A_242 = arith.constant 0 : i32
        %jit3A_243 = arith.constant 63 : i32
        %max3A_244 = vector.broadcast %jit3A_242 : i32 to vector<16xi32>
        %max3A_245 = arith.maxsi %max3A_244, %sub3A_241 : vector<16xi32>
        %min3A_246 = vector.broadcast %jit3A_243 : i32 to vector<16xi32>
        %min3A_247 = arith.minsi %min3A_246, %max3A_245 : vector<16xi32>
        %eq3A_248 = arith.cmpi eq, %min3A_247, %scan3A_75#1 : vector<16xi32>
        %mul3A_249 = arith.constant 16 : i32
        %mul3A_250 = vector.broadcast %mul3A_249 : i32 to vector<16xi32>
        %mul3A_251 = arith.muli %add3A_224, %mul3A_250 : vector<16xi32>
        %add3A_252 = arith.addi %mul3A_251, %iota3A : vector<16xi32>
        %and3A_253 = arith.constant 8388607 : i32
        %and3A_254 = vector.broadcast %and3A_253 : i32 to vector<16xi32>
        %and3A_255 = arith.andi %and3A_235, %and3A_254 : vector<16xi32>
        tpu.vector_store_idx %arg6[%add3A_252], %and3A_255 masked %eq3A_248 : memref<6144xi32, #tpu.memory_space<vmem>>[vector<16xi32>], vector<16xi32>, vector<16xi1>
        %convert_element_type3A_256 = arith.extui %eq3A_248 : vector<16xi1> to vector<16xi32>
        %add3A_257 = arith.addi %add3A_224, %convert_element_type3A_256 : vector<16xi32>
        %mul3A_258 = arith.constant 8 : i32
        %mul3A_259 = arith.muli %scan3A_162, %mul3A_258 : i32
        %add3A_260 = arith.constant 3 : i32
        %add3A_261 = arith.addi %mul3A_259, %add3A_260 : i32
        %get3A_262 = arith.index_cast %add3A_261 : i32 to index
        %get3A_263 = arith.index_cast %mul3A_53 : i32 to index
        %get3A_264 = tpu.vector_load %arg4[%get3A_262, %get3A_263] {strides = array<i32>} : memref<384x128xf32, #tpu.memory_space<vmem>>, vector<16xf32>,
        %bitcast_convert_type3A_265 = tpu.bitcast %get3A_264 : vector<16xf32> -> vector<16xi32>
        %and3A_266 = arith.constant 2147483647 : i32
        %and3A_267 = vector.broadcast %and3A_266 : i32 to vector<16xi32>
        %and3A_268 = arith.andi %bitcast_convert_type3A_265, %and3A_267 : vector<16xi32>
        %shift_right_arithmetic3A_269 = arith.constant 23 : i32
        %shift_right_arithmetic3A_270 = vector.broadcast %shift_right_arithmetic3A_269 : i32 to vector<16xi32>
        %shift_right_arithmetic3A_271 = arith.shrsi %and3A_268, %shift_right_arithmetic3A_270 : vector<16xi32>
        %sub3A_272 = arith.constant 67 : i32
        %sub3A_273 = vector.broadcast %sub3A_272 : i32 to vector<16xi32>
        %sub3A_274 = arith.subi %shift_right_arithmetic3A_271, %sub3A_273 : vector<16xi32>
        %jit3A_275 = arith.constant 0 : i32
        %jit3A_276 = arith.constant 63 : i32
        %max3A_277 = vector.broadcast %jit3A_275 : i32 to vector<16xi32>
        %max3A_278 = arith.maxsi %max3A_277, %sub3A_274 : vector<16xi32>
        %min3A_279 = vector.broadcast %jit3A_276 : i32 to vector<16xi32>
        %min3A_280 = arith.minsi %min3A_279, %max3A_278 : vector<16xi32>
        %eq3A_281 = arith.cmpi eq, %min3A_280, %scan3A_75#1 : vector<16xi32>
        %mul3A_282 = arith.constant 16 : i32
        %mul3A_283 = vector.broadcast %mul3A_282 : i32 to vector<16xi32>
        %mul3A_284 = arith.muli %add3A_257, %mul3A_283 : vector<16xi32>
        %add3A_285 = arith.addi %mul3A_284, %iota3A : vector<16xi32>
        %and3A_286 = arith.constant 8388607 : i32
        %and3A_287 = vector.broadcast %and3A_286 : i32 to vector<16xi32>
        %and3A_288 = arith.andi %and3A_268, %and3A_287 : vector<16xi32>
        tpu.vector_store_idx %arg6[%add3A_285], %and3A_288 masked %eq3A_281 : memref<6144xi32, #tpu.memory_space<vmem>>[vector<16xi32>], vector<16xi32>, vector<16xi1>
        %convert_element_type3A_289 = arith.extui %eq3A_281 : vector<16xi1> to vector<16xi32>
        %add3A_290 = arith.addi %add3A_257, %convert_element_type3A_289 : vector<16xi32>
        %mul3A_291 = arith.constant 8 : i32
        %mul3A_292 = arith.muli %scan3A_162, %mul3A_291 : i32
        %add3A_293 = arith.constant 4 : i32
        %add3A_294 = arith.addi %mul3A_292, %add3A_293 : i32
        %get3A_295 = arith.index_cast %add3A_294 : i32 to index
        %get3A_296 = arith.index_cast %mul3A_53 : i32 to index
        %get3A_297 = tpu.vector_load %arg4[%get3A_295, %get3A_296] {strides = array<i32>} : memref<384x128xf32, #tpu.memory_space<vmem>>, vector<16xf32>,
        %bitcast_convert_type3A_298 = tpu.bitcast %get3A_297 : vector<16xf32> -> vector<16xi32>
        %and3A_299 = arith.constant 2147483647 : i32
        %and3A_300 = vector.broadcast %and3A_299 : i32 to vector<16xi32>
        %and3A_301 = arith.andi %bitcast_convert_type3A_298, %and3A_300 : vector<16xi32>
        %shift_right_arithmetic3A_302 = arith.constant 23 : i32
        %shift_right_arithmetic3A_303 = vector.broadcast %shift_right_arithmetic3A_302 : i32 to vector<16xi32>
        %shift_right_arithmetic3A_304 = arith.shrsi %and3A_301, %shift_right_arithmetic3A_303 : vector<16xi32>
        %sub3A_305 = arith.constant 67 : i32
        %sub3A_306 = vector.broadcast %sub3A_305 : i32 to vector<16xi32>
        %sub3A_307 = arith.subi %shift_right_arithmetic3A_304, %sub3A_306 : vector<16xi32>
        %jit3A_308 = arith.constant 0 : i32
        %jit3A_309 = arith.constant 63 : i32
        %max3A_310 = vector.broadcast %jit3A_308 : i32 to vector<16xi32>
        %max3A_311 = arith.maxsi %max3A_310, %sub3A_307 : vector<16xi32>
        %min3A_312 = vector.broadcast %jit3A_309 : i32 to vector<16xi32>
        %min3A_313 = arith.minsi %min3A_312, %max3A_311 : vector<16xi32>
        %eq3A_314 = arith.cmpi eq, %min3A_313, %scan3A_75#1 : vector<16xi32>
        %mul3A_315 = arith.constant 16 : i32
        %mul3A_316 = vector.broadcast %mul3A_315 : i32 to vector<16xi32>
        %mul3A_317 = arith.muli %add3A_290, %mul3A_316 : vector<16xi32>
        %add3A_318 = arith.addi %mul3A_317, %iota3A : vector<16xi32>
        %and3A_319 = arith.constant 8388607 : i32
        %and3A_320 = vector.broadcast %and3A_319 : i32 to vector<16xi32>
        %and3A_321 = arith.andi %and3A_301, %and3A_320 : vector<16xi32>
        tpu.vector_store_idx %arg6[%add3A_318], %and3A_321 masked %eq3A_314 : memref<6144xi32, #tpu.memory_space<vmem>>[vector<16xi32>], vector<16xi32>, vector<16xi1>
        %convert_element_type3A_322 = arith.extui %eq3A_314 : vector<16xi1> to vector<16xi32>
        %add3A_323 = arith.addi %add3A_290, %convert_element_type3A_322 : vector<16xi32>
        %mul3A_324 = arith.constant 8 : i32
        %mul3A_325 = arith.muli %scan3A_162, %mul3A_324 : i32
        %add3A_326 = arith.constant 5 : i32
        %add3A_327 = arith.addi %mul3A_325, %add3A_326 : i32
        %get3A_328 = arith.index_cast %add3A_327 : i32 to index
        %get3A_329 = arith.index_cast %mul3A_53 : i32 to index
        %get3A_330 = tpu.vector_load %arg4[%get3A_328, %get3A_329] {strides = array<i32>} : memref<384x128xf32, #tpu.memory_space<vmem>>, vector<16xf32>,
        %bitcast_convert_type3A_331 = tpu.bitcast %get3A_330 : vector<16xf32> -> vector<16xi32>
        %and3A_332 = arith.constant 2147483647 : i32
        %and3A_333 = vector.broadcast %and3A_332 : i32 to vector<16xi32>
        %and3A_334 = arith.andi %bitcast_convert_type3A_331, %and3A_333 : vector<16xi32>
        %shift_right_arithmetic3A_335 = arith.constant 23 : i32
        %shift_right_arithmetic3A_336 = vector.broadcast %shift_right_arithmetic3A_335 : i32 to vector<16xi32>
        %shift_right_arithmetic3A_337 = arith.shrsi %and3A_334, %shift_right_arithmetic3A_336 : vector<16xi32>
        %sub3A_338 = arith.constant 67 : i32
        %sub3A_339 = vector.broadcast %sub3A_338 : i32 to vector<16xi32>
        %sub3A_340 = arith.subi %shift_right_arithmetic3A_337, %sub3A_339 : vector<16xi32>
        %jit3A_341 = arith.constant 0 : i32
        %jit3A_342 = arith.constant 63 : i32
        %max3A_343 = vector.broadcast %jit3A_341 : i32 to vector<16xi32>
        %max3A_344 = arith.maxsi %max3A_343, %sub3A_340 : vector<16xi32>
        %min3A_345 = vector.broadcast %jit3A_342 : i32 to vector<16xi32>
        %min3A_346 = arith.minsi %min3A_345, %max3A_344 : vector<16xi32>
        %eq3A_347 = arith.cmpi eq, %min3A_346, %scan3A_75#1 : vector<16xi32>
        %mul3A_348 = arith.constant 16 : i32
        %mul3A_349 = vector.broadcast %mul3A_348 : i32 to vector<16xi32>
        %mul3A_350 = arith.muli %add3A_323, %mul3A_349 : vector<16xi32>
        %add3A_351 = arith.addi %mul3A_350, %iota3A : vector<16xi32>
        %and3A_352 = arith.constant 8388607 : i32
        %and3A_353 = vector.broadcast %and3A_352 : i32 to vector<16xi32>
        %and3A_354 = arith.andi %and3A_334, %and3A_353 : vector<16xi32>
        tpu.vector_store_idx %arg6[%add3A_351], %and3A_354 masked %eq3A_347 : memref<6144xi32, #tpu.memory_space<vmem>>[vector<16xi32>], vector<16xi32>, vector<16xi1>
        %convert_element_type3A_355 = arith.extui %eq3A_347 : vector<16xi1> to vector<16xi32>
        %add3A_356 = arith.addi %add3A_323, %convert_element_type3A_355 : vector<16xi32>
        %mul3A_357 = arith.constant 8 : i32
        %mul3A_358 = arith.muli %scan3A_162, %mul3A_357 : i32
        %add3A_359 = arith.constant 6 : i32
        %add3A_360 = arith.addi %mul3A_358, %add3A_359 : i32
        %get3A_361 = arith.index_cast %add3A_360 : i32 to index
        %get3A_362 = arith.index_cast %mul3A_53 : i32 to index
        %get3A_363 = tpu.vector_load %arg4[%get3A_361, %get3A_362] {strides = array<i32>} : memref<384x128xf32, #tpu.memory_space<vmem>>, vector<16xf32>,
        %bitcast_convert_type3A_364 = tpu.bitcast %get3A_363 : vector<16xf32> -> vector<16xi32>
        %and3A_365 = arith.constant 2147483647 : i32
        %and3A_366 = vector.broadcast %and3A_365 : i32 to vector<16xi32>
        %and3A_367 = arith.andi %bitcast_convert_type3A_364, %and3A_366 : vector<16xi32>
        %shift_right_arithmetic3A_368 = arith.constant 23 : i32
        %shift_right_arithmetic3A_369 = vector.broadcast %shift_right_arithmetic3A_368 : i32 to vector<16xi32>
        %shift_right_arithmetic3A_370 = arith.shrsi %and3A_367, %shift_right_arithmetic3A_369 : vector<16xi32>
        %sub3A_371 = arith.constant 67 : i32
        %sub3A_372 = vector.broadcast %sub3A_371 : i32 to vector<16xi32>
        %sub3A_373 = arith.subi %shift_right_arithmetic3A_370, %sub3A_372 : vector<16xi32>
        %jit3A_374 = arith.constant 0 : i32
        %jit3A_375 = arith.constant 63 : i32
        %max3A_376 = vector.broadcast %jit3A_374 : i32 to vector<16xi32>
        %max3A_377 = arith.maxsi %max3A_376, %sub3A_373 : vector<16xi32>
        %min3A_378 = vector.broadcast %jit3A_375 : i32 to vector<16xi32>
        %min3A_379 = arith.minsi %min3A_378, %max3A_377 : vector<16xi32>
        %eq3A_380 = arith.cmpi eq, %min3A_379, %scan3A_75#1 : vector<16xi32>
        %mul3A_381 = arith.constant 16 : i32
        %mul3A_382 = vector.broadcast %mul3A_381 : i32 to vector<16xi32>
        %mul3A_383 = arith.muli %add3A_356, %mul3A_382 : vector<16xi32>
        %add3A_384 = arith.addi %mul3A_383, %iota3A : vector<16xi32>
        %and3A_385 = arith.constant 8388607 : i32
        %and3A_386 = vector.broadcast %and3A_385 : i32 to vector<16xi32>
        %and3A_387 = arith.andi %and3A_367, %and3A_386 : vector<16xi32>
        tpu.vector_store_idx %arg6[%add3A_384], %and3A_387 masked %eq3A_380 : memref<6144xi32, #tpu.memory_space<vmem>>[vector<16xi32>], vector<16xi32>, vector<16xi1>
        %convert_element_type3A_388 = arith.extui %eq3A_380 : vector<16xi1> to vector<16xi32>
        %add3A_389 = arith.addi %add3A_356, %convert_element_type3A_388 : vector<16xi32>
        %mul3A_390 = arith.constant 8 : i32
        %mul3A_391 = arith.muli %scan3A_162, %mul3A_390 : i32
        %add3A_392 = arith.constant 7 : i32
        %add3A_393 = arith.addi %mul3A_391, %add3A_392 : i32
        %get3A_394 = arith.index_cast %add3A_393 : i32 to index
        %get3A_395 = arith.index_cast %mul3A_53 : i32 to index
        %get3A_396 = tpu.vector_load %arg4[%get3A_394, %get3A_395] {strides = array<i32>} : memref<384x128xf32, #tpu.memory_space<vmem>>, vector<16xf32>,
        %bitcast_convert_type3A_397 = tpu.bitcast %get3A_396 : vector<16xf32> -> vector<16xi32>
        %and3A_398 = arith.constant 2147483647 : i32
        %and3A_399 = vector.broadcast %and3A_398 : i32 to vector<16xi32>
        %and3A_400 = arith.andi %bitcast_convert_type3A_397, %and3A_399 : vector<16xi32>
        %shift_right_arithmetic3A_401 = arith.constant 23 : i32
        %shift_right_arithmetic3A_402 = vector.broadcast %shift_right_arithmetic3A_401 : i32 to vector<16xi32>
        %shift_right_arithmetic3A_403 = arith.shrsi %and3A_400, %shift_right_arithmetic3A_402 : vector<16xi32>
        %sub3A_404 = arith.constant 67 : i32
        %sub3A_405 = vector.broadcast %sub3A_404 : i32 to vector<16xi32>
        %sub3A_406 = arith.subi %shift_right_arithmetic3A_403, %sub3A_405 : vector<16xi32>
        %jit3A_407 = arith.constant 0 : i32
        %jit3A_408 = arith.constant 63 : i32
        %max3A_409 = vector.broadcast %jit3A_407 : i32 to vector<16xi32>
        %max3A_410 = arith.maxsi %max3A_409, %sub3A_406 : vector<16xi32>
        %min3A_411 = vector.broadcast %jit3A_408 : i32 to vector<16xi32>
        %min3A_412 = arith.minsi %min3A_411, %max3A_410 : vector<16xi32>
        %eq3A_413 = arith.cmpi eq, %min3A_412, %scan3A_75#1 : vector<16xi32>
        %mul3A_414 = arith.constant 16 : i32
        %mul3A_415 = vector.broadcast %mul3A_414 : i32 to vector<16xi32>
        %mul3A_416 = arith.muli %add3A_389, %mul3A_415 : vector<16xi32>
        %add3A_417 = arith.addi %mul3A_416, %iota3A : vector<16xi32>
        %and3A_418 = arith.constant 8388607 : i32
        %and3A_419 = vector.broadcast %and3A_418 : i32 to vector<16xi32>
        %and3A_420 = arith.andi %and3A_400, %and3A_419 : vector<16xi32>
        tpu.vector_store_idx %arg6[%add3A_417], %and3A_420 masked %eq3A_413 : memref<6144xi32, #tpu.memory_space<vmem>>[vector<16xi32>], vector<16xi32>, vector<16xi1>
        %convert_element_type3A_421 = arith.extui %eq3A_413 : vector<16xi1> to vector<16xi32>
        %add3A_422 = arith.addi %add3A_389, %convert_element_type3A_421 : vector<16xi32>
        scf.yield %add3A_422 : vector<16xi32>
      }
      %scan3A_85 = arith.constant 48 : i32
      %reduce_max3A = arith.constant true
      %reduce_max3A_86 = vector.broadcast %reduce_max3A : i1 to vector<16xi1>
      %reduce_max3A_87 = arith.constant -2147483648 : i32
      %reduce_max3A_88 = vector.broadcast %reduce_max3A_87 : i32 to vector<16xi32>
      %reduce_max3A_89 = arith.xori %scan3A_84, %reduce_max3A_88 : vector<16xi32>
      %reduce_max3A_90 = tpu.scan <max>, %reduce_max3A_89 masked %reduce_max3A_86 : vector<16xi32>, vector<16xi1> -> vector<16xi32>
      %reduce_max3A_91 = arith.xori %reduce_max3A_90, %reduce_max3A_88 : vector<16xi32>
      %reduce_max3A_92 = vector.extract %reduce_max3A_91[15] : i32 from vector<16xi32>
      %scan3A_93 = arith.constant 0 : i32
      %scan3A_94 = arith.constant 0 : i32
      %scan3A_95 = arith.constant 2 : i32
      %scan3A_96 = arith.addi %scan3A_94, %scan3A_95 : i32
      %scan3A_97 = arith.constant 1 : i32
      %scan3A_98 = scf.for %scan3A_162 = %scan3A_94 to %scan3A_96 step %scan3A_97 iter_args(%scan3A_163 = %scan3A_93) -> (i32)  : i32 {
        %mul3A_164 = arith.constant 8 : i32
        %mul3A_165 = arith.muli %scan3A_162, %mul3A_164 : i32
        %add3A_166 = arith.constant 0 : i32
        %add3A_167 = arith.addi %mul3A_165, %add3A_166 : i32
        %mul3A_168 = arith.constant 16 : i32
        %mul3A_169 = arith.muli %add3A_167, %mul3A_168 : i32
        %swap3A = arith.index_cast %mul3A_169 : i32 to index
        %swap3A_170 = tpu.vector_load %arg5[%swap3A] {strides = array<i32>} : memref<2048xi32, #tpu.memory_space<vmem>>, vector<16xi32>,
        tpu.vector_store %arg5[%swap3A], %broadcast_in_dim3A_54 {strides = array<i32>} : memref<2048xi32, #tpu.memory_space<vmem>>, vector<16xi32>,
        %mul3A_171 = arith.constant 8 : i32
        %mul3A_172 = arith.muli %scan3A_162, %mul3A_171 : i32
        %add3A_173 = arith.constant 1 : i32
        %add3A_174 = arith.addi %mul3A_172, %add3A_173 : i32
        %mul3A_175 = arith.constant 16 : i32
        %mul3A_176 = arith.muli %add3A_174, %mul3A_175 : i32
        %swap3A_177 = arith.index_cast %mul3A_176 : i32 to index
        %swap3A_178 = tpu.vector_load %arg5[%swap3A_177] {strides = array<i32>} : memref<2048xi32, #tpu.memory_space<vmem>>, vector<16xi32>,
        tpu.vector_store %arg5[%swap3A_177], %broadcast_in_dim3A_54 {strides = array<i32>} : memref<2048xi32, #tpu.memory_space<vmem>>, vector<16xi32>,
        %mul3A_179 = arith.constant 8 : i32
        %mul3A_180 = arith.muli %scan3A_162, %mul3A_179 : i32
        %add3A_181 = arith.constant 2 : i32
        %add3A_182 = arith.addi %mul3A_180, %add3A_181 : i32
        %mul3A_183 = arith.constant 16 : i32
        %mul3A_184 = arith.muli %add3A_182, %mul3A_183 : i32
        %swap3A_185 = arith.index_cast %mul3A_184 : i32 to index
        %swap3A_186 = tpu.vector_load %arg5[%swap3A_185] {strides = array<i32>} : memref<2048xi32, #tpu.memory_space<vmem>>, vector<16xi32>,
        tpu.vector_store %arg5[%swap3A_185], %broadcast_in_dim3A_54 {strides = array<i32>} : memref<2048xi32, #tpu.memory_space<vmem>>, vector<16xi32>,
        %mul3A_187 = arith.constant 8 : i32
        %mul3A_188 = arith.muli %scan3A_162, %mul3A_187 : i32
        %add3A_189 = arith.constant 3 : i32
        %add3A_190 = arith.addi %mul3A_188, %add3A_189 : i32
        %mul3A_191 = arith.constant 16 : i32
        %mul3A_192 = arith.muli %add3A_190, %mul3A_191 : i32
        %swap3A_193 = arith.index_cast %mul3A_192 : i32 to index
        %swap3A_194 = tpu.vector_load %arg5[%swap3A_193] {strides = array<i32>} : memref<2048xi32, #tpu.memory_space<vmem>>, vector<16xi32>,
        tpu.vector_store %arg5[%swap3A_193], %broadcast_in_dim3A_54 {strides = array<i32>} : memref<2048xi32, #tpu.memory_space<vmem>>, vector<16xi32>,
        %mul3A_195 = arith.constant 8 : i32
        %mul3A_196 = arith.muli %scan3A_162, %mul3A_195 : i32
        %add3A_197 = arith.constant 4 : i32
        %add3A_198 = arith.addi %mul3A_196, %add3A_197 : i32
        %mul3A_199 = arith.constant 16 : i32
        %mul3A_200 = arith.muli %add3A_198, %mul3A_199 : i32
        %swap3A_201 = arith.index_cast %mul3A_200 : i32 to index
        %swap3A_202 = tpu.vector_load %arg5[%swap3A_201] {strides = array<i32>} : memref<2048xi32, #tpu.memory_space<vmem>>, vector<16xi32>,
        tpu.vector_store %arg5[%swap3A_201], %broadcast_in_dim3A_54 {strides = array<i32>} : memref<2048xi32, #tpu.memory_space<vmem>>, vector<16xi32>,
        %mul3A_203 = arith.constant 8 : i32
        %mul3A_204 = arith.muli %scan3A_162, %mul3A_203 : i32
        %add3A_205 = arith.constant 5 : i32
        %add3A_206 = arith.addi %mul3A_204, %add3A_205 : i32
        %mul3A_207 = arith.constant 16 : i32
        %mul3A_208 = arith.muli %add3A_206, %mul3A_207 : i32
        %swap3A_209 = arith.index_cast %mul3A_208 : i32 to index
        %swap3A_210 = tpu.vector_load %arg5[%swap3A_209] {strides = array<i32>} : memref<2048xi32, #tpu.memory_space<vmem>>, vector<16xi32>,
        tpu.vector_store %arg5[%swap3A_209], %broadcast_in_dim3A_54 {strides = array<i32>} : memref<2048xi32, #tpu.memory_space<vmem>>, vector<16xi32>,
        %mul3A_211 = arith.constant 8 : i32
        %mul3A_212 = arith.muli %scan3A_162, %mul3A_211 : i32
        %add3A_213 = arith.constant 6 : i32
        %add3A_214 = arith.addi %mul3A_212, %add3A_213 : i32
        %mul3A_215 = arith.constant 16 : i32
        %mul3A_216 = arith.muli %add3A_214, %mul3A_215 : i32
        %swap3A_217 = arith.index_cast %mul3A_216 : i32 to index
        %swap3A_218 = tpu.vector_load %arg5[%swap3A_217] {strides = array<i32>} : memref<2048xi32, #tpu.memory_space<vmem>>, vector<16xi32>,
        tpu.vector_store %arg5[%swap3A_217], %broadcast_in_dim3A_54 {strides = array<i32>} : memref<2048xi32, #tpu.memory_space<vmem>>, vector<16xi32>,
        %mul3A_219 = arith.constant 8 : i32
        %mul3A_220 = arith.muli %scan3A_162, %mul3A_219 : i32
        %add3A_221 = arith.constant 7 : i32
        %add3A_222 = arith.addi %mul3A_220, %add3A_221 : i32
        %mul3A_223 = arith.constant 16 : i32
        %mul3A_224 = arith.muli %add3A_222, %mul3A_223 : i32
        %swap3A_225 = arith.index_cast %mul3A_224 : i32 to index
        %swap3A_226 = tpu.vector_load %arg5[%swap3A_225] {strides = array<i32>} : memref<2048xi32, #tpu.memory_space<vmem>>, vector<16xi32>,
        tpu.vector_store %arg5[%swap3A_225], %broadcast_in_dim3A_54 {strides = array<i32>} : memref<2048xi32, #tpu.memory_space<vmem>>, vector<16xi32>,
        %scan3A_227 = arith.constant 0 : i32
        scf.yield %scan3A_227 : i32
      }
      %scan3A_99 = arith.constant 2 : i32
      %add3A_100 = arith.constant 3 : i32
      %add3A_101 = arith.addi %reduce_max3A_92, %add3A_100 : i32
      %shift_right_arithmetic3A = arith.constant 2 : i32
      %shift_right_arithmetic3A_102 = arith.shrsi %add3A_101, %shift_right_arithmetic3A : i32
      %while3A = arith.constant 0 : i32
      %while3A_103 = arith.constant 0 : i32
      %while3A_104 = arith.subi %shift_right_arithmetic3A_102, %while3A : i32
      %while3A_105 = arith.addi %while3A, %while3A_104 : i32
      %while3A_106 = arith.constant 1 : i32
      %while3A_107 = arith.divsi %while3A_104, %while3A_106 : i32
      %while3A_108 = arith.muli %while3A_107, %while3A_106 : i32
      %while3A_109 = arith.addi %while3A, %while3A_108 : i32
      %while3A_110 = arith.constant 1 : i32
      %while3A_111 = scf.for %while3A_162 = %while3A to %while3A_109 step %while3A_110 iter_args(%while3A_163 = %while3A_103) -> (i32)  : i32 {
        %mul3A_164 = arith.constant 4 : i32
        %mul3A_165 = arith.muli %while3A_162, %mul3A_164 : i32
        %add3A_166 = arith.constant 0 : i32
        %add3A_167 = arith.addi %mul3A_165, %add3A_166 : i32
        %mul3A_168 = arith.constant 16 : i32
        %mul3A_169 = arith.muli %add3A_167, %mul3A_168 : i32
        %get3A = arith.index_cast %mul3A_169 : i32 to index
        %get3A_170 = tpu.vector_load %arg6[%get3A] {strides = array<i32>} : memref<6144xi32, #tpu.memory_space<vmem>>, vector<16xi32>,
        %shift_right_arithmetic3A_171 = arith.constant 19 : i32
        %shift_right_arithmetic3A_172 = vector.broadcast %shift_right_arithmetic3A_171 : i32 to vector<16xi32>
        %shift_right_arithmetic3A_173 = arith.shrsi %get3A_170, %shift_right_arithmetic3A_172 : vector<16xi32>
        %and3A_174 = arith.constant 15 : i32
        %and3A_175 = vector.broadcast %and3A_174 : i32 to vector<16xi32>
        %and3A_176 = arith.andi %shift_right_arithmetic3A_173, %and3A_175 : vector<16xi32>
        %mul3A_177 = arith.constant 16 : i32
        %mul3A_178 = vector.broadcast %mul3A_177 : i32 to vector<16xi32>
        %mul3A_179 = arith.muli %and3A_176, %mul3A_178 : vector<16xi32>
        %add3A_180 = arith.addi %mul3A_179, %iota3A : vector<16xi32>
        %lt3A_181 = vector.broadcast %add3A_167 : i32 to vector<16xi32>
        %lt3A_182 = arith.cmpi slt, %lt3A_181, %scan3A_84 : vector<16xi32>
        tpu.vector_store_idx %arg5[%add3A_180], %broadcast_in_dim3A_56 masked %lt3A_182 {add = true} : memref<2048xi32, #tpu.memory_space<vmem>>[vector<16xi32>], vector<16xi32>, vector<16xi1>
        %mul3A_183 = arith.constant 4 : i32
        %mul3A_184 = arith.muli %while3A_162, %mul3A_183 : i32
        %add3A_185 = arith.constant 1 : i32
        %add3A_186 = arith.addi %mul3A_184, %add3A_185 : i32
        %mul3A_187 = arith.constant 16 : i32
        %mul3A_188 = arith.muli %add3A_186, %mul3A_187 : i32
        %get3A_189 = arith.index_cast %mul3A_188 : i32 to index
        %get3A_190 = tpu.vector_load %arg6[%get3A_189] {strides = array<i32>} : memref<6144xi32, #tpu.memory_space<vmem>>, vector<16xi32>,
        %shift_right_arithmetic3A_191 = arith.constant 19 : i32
        %shift_right_arithmetic3A_192 = vector.broadcast %shift_right_arithmetic3A_191 : i32 to vector<16xi32>
        %shift_right_arithmetic3A_193 = arith.shrsi %get3A_190, %shift_right_arithmetic3A_192 : vector<16xi32>
        %and3A_194 = arith.constant 15 : i32
        %and3A_195 = vector.broadcast %and3A_194 : i32 to vector<16xi32>
        %and3A_196 = arith.andi %shift_right_arithmetic3A_193, %and3A_195 : vector<16xi32>
        %mul3A_197 = arith.constant 16 : i32
        %mul3A_198 = vector.broadcast %mul3A_197 : i32 to vector<16xi32>
        %mul3A_199 = arith.muli %and3A_196, %mul3A_198 : vector<16xi32>
        %add3A_200 = arith.addi %mul3A_199, %iota3A : vector<16xi32>
        %lt3A_201 = vector.broadcast %add3A_186 : i32 to vector<16xi32>
        %lt3A_202 = arith.cmpi slt, %lt3A_201, %scan3A_84 : vector<16xi32>
        tpu.vector_store_idx %arg5[%add3A_200], %broadcast_in_dim3A_56 masked %lt3A_202 {add = true} : memref<2048xi32, #tpu.memory_space<vmem>>[vector<16xi32>], vector<16xi32>, vector<16xi1>
        %mul3A_203 = arith.constant 4 : i32
        %mul3A_204 = arith.muli %while3A_162, %mul3A_203 : i32
        %add3A_205 = arith.constant 2 : i32
        %add3A_206 = arith.addi %mul3A_204, %add3A_205 : i32
        %mul3A_207 = arith.constant 16 : i32
        %mul3A_208 = arith.muli %add3A_206, %mul3A_207 : i32
        %get3A_209 = arith.index_cast %mul3A_208 : i32 to index
        %get3A_210 = tpu.vector_load %arg6[%get3A_209] {strides = array<i32>} : memref<6144xi32, #tpu.memory_space<vmem>>, vector<16xi32>,
        %shift_right_arithmetic3A_211 = arith.constant 19 : i32
        %shift_right_arithmetic3A_212 = vector.broadcast %shift_right_arithmetic3A_211 : i32 to vector<16xi32>
        %shift_right_arithmetic3A_213 = arith.shrsi %get3A_210, %shift_right_arithmetic3A_212 : vector<16xi32>
        %and3A_214 = arith.constant 15 : i32
        %and3A_215 = vector.broadcast %and3A_214 : i32 to vector<16xi32>
        %and3A_216 = arith.andi %shift_right_arithmetic3A_213, %and3A_215 : vector<16xi32>
        %mul3A_217 = arith.constant 16 : i32
        %mul3A_218 = vector.broadcast %mul3A_217 : i32 to vector<16xi32>
        %mul3A_219 = arith.muli %and3A_216, %mul3A_218 : vector<16xi32>
        %add3A_220 = arith.addi %mul3A_219, %iota3A : vector<16xi32>
        %lt3A_221 = vector.broadcast %add3A_206 : i32 to vector<16xi32>
        %lt3A_222 = arith.cmpi slt, %lt3A_221, %scan3A_84 : vector<16xi32>
        tpu.vector_store_idx %arg5[%add3A_220], %broadcast_in_dim3A_56 masked %lt3A_222 {add = true} : memref<2048xi32, #tpu.memory_space<vmem>>[vector<16xi32>], vector<16xi32>, vector<16xi1>
        %mul3A_223 = arith.constant 4 : i32
        %mul3A_224 = arith.muli %while3A_162, %mul3A_223 : i32
        %add3A_225 = arith.constant 3 : i32
        %add3A_226 = arith.addi %mul3A_224, %add3A_225 : i32
        %mul3A_227 = arith.constant 16 : i32
        %mul3A_228 = arith.muli %add3A_226, %mul3A_227 : i32
        %get3A_229 = arith.index_cast %mul3A_228 : i32 to index
        %get3A_230 = tpu.vector_load %arg6[%get3A_229] {strides = array<i32>} : memref<6144xi32, #tpu.memory_space<vmem>>, vector<16xi32>,
        %shift_right_arithmetic3A_231 = arith.constant 19 : i32
        %shift_right_arithmetic3A_232 = vector.broadcast %shift_right_arithmetic3A_231 : i32 to vector<16xi32>
        %shift_right_arithmetic3A_233 = arith.shrsi %get3A_230, %shift_right_arithmetic3A_232 : vector<16xi32>
        %and3A_234 = arith.constant 15 : i32
        %and3A_235 = vector.broadcast %and3A_234 : i32 to vector<16xi32>
        %and3A_236 = arith.andi %shift_right_arithmetic3A_233, %and3A_235 : vector<16xi32>
        %mul3A_237 = arith.constant 16 : i32
        %mul3A_238 = vector.broadcast %mul3A_237 : i32 to vector<16xi32>
        %mul3A_239 = arith.muli %and3A_236, %mul3A_238 : vector<16xi32>
        %add3A_240 = arith.addi %mul3A_239, %iota3A : vector<16xi32>
        %lt3A_241 = vector.broadcast %add3A_226 : i32 to vector<16xi32>
        %lt3A_242 = arith.cmpi slt, %lt3A_241, %scan3A_84 : vector<16xi32>
        tpu.vector_store_idx %arg5[%add3A_240], %broadcast_in_dim3A_56 masked %lt3A_242 {add = true} : memref<2048xi32, #tpu.memory_space<vmem>>[vector<16xi32>], vector<16xi32>, vector<16xi1>
        %while3A_243 = arith.constant 0 : i32
        scf.yield %while3A_243 : i32
      }
      %while3A_112 = arith.constant 1 : i32
      %while3A_113 = scf.for %while3A_162 = %while3A_109 to %while3A_105 step %while3A_112 iter_args(%while3A_163 = %while3A_111) -> (i32)  : i32 {
        %mul3A_164 = arith.constant 4 : i32
        %mul3A_165 = arith.muli %while3A_162, %mul3A_164 : i32
        %add3A_166 = arith.constant 0 : i32
        %add3A_167 = arith.addi %mul3A_165, %add3A_166 : i32
        %mul3A_168 = arith.constant 16 : i32
        %mul3A_169 = arith.muli %add3A_167, %mul3A_168 : i32
        %get3A = arith.index_cast %mul3A_169 : i32 to index
        %get3A_170 = tpu.vector_load %arg6[%get3A] {strides = array<i32>} : memref<6144xi32, #tpu.memory_space<vmem>>, vector<16xi32>,
        %shift_right_arithmetic3A_171 = arith.constant 19 : i32
        %shift_right_arithmetic3A_172 = vector.broadcast %shift_right_arithmetic3A_171 : i32 to vector<16xi32>
        %shift_right_arithmetic3A_173 = arith.shrsi %get3A_170, %shift_right_arithmetic3A_172 : vector<16xi32>
        %and3A_174 = arith.constant 15 : i32
        %and3A_175 = vector.broadcast %and3A_174 : i32 to vector<16xi32>
        %and3A_176 = arith.andi %shift_right_arithmetic3A_173, %and3A_175 : vector<16xi32>
        %mul3A_177 = arith.constant 16 : i32
        %mul3A_178 = vector.broadcast %mul3A_177 : i32 to vector<16xi32>
        %mul3A_179 = arith.muli %and3A_176, %mul3A_178 : vector<16xi32>
        %add3A_180 = arith.addi %mul3A_179, %iota3A : vector<16xi32>
        %lt3A_181 = vector.broadcast %add3A_167 : i32 to vector<16xi32>
        %lt3A_182 = arith.cmpi slt, %lt3A_181, %scan3A_84 : vector<16xi32>
        tpu.vector_store_idx %arg5[%add3A_180], %broadcast_in_dim3A_56 masked %lt3A_182 {add = true} : memref<2048xi32, #tpu.memory_space<vmem>>[vector<16xi32>], vector<16xi32>, vector<16xi1>
        %mul3A_183 = arith.constant 4 : i32
        %mul3A_184 = arith.muli %while3A_162, %mul3A_183 : i32
        %add3A_185 = arith.constant 1 : i32
        %add3A_186 = arith.addi %mul3A_184, %add3A_185 : i32
        %mul3A_187 = arith.constant 16 : i32
        %mul3A_188 = arith.muli %add3A_186, %mul3A_187 : i32
        %get3A_189 = arith.index_cast %mul3A_188 : i32 to index
        %get3A_190 = tpu.vector_load %arg6[%get3A_189] {strides = array<i32>} : memref<6144xi32, #tpu.memory_space<vmem>>, vector<16xi32>,
        %shift_right_arithmetic3A_191 = arith.constant 19 : i32
        %shift_right_arithmetic3A_192 = vector.broadcast %shift_right_arithmetic3A_191 : i32 to vector<16xi32>
        %shift_right_arithmetic3A_193 = arith.shrsi %get3A_190, %shift_right_arithmetic3A_192 : vector<16xi32>
        %and3A_194 = arith.constant 15 : i32
        %and3A_195 = vector.broadcast %and3A_194 : i32 to vector<16xi32>
        %and3A_196 = arith.andi %shift_right_arithmetic3A_193, %and3A_195 : vector<16xi32>
        %mul3A_197 = arith.constant 16 : i32
        %mul3A_198 = vector.broadcast %mul3A_197 : i32 to vector<16xi32>
        %mul3A_199 = arith.muli %and3A_196, %mul3A_198 : vector<16xi32>
        %add3A_200 = arith.addi %mul3A_199, %iota3A : vector<16xi32>
        %lt3A_201 = vector.broadcast %add3A_186 : i32 to vector<16xi32>
        %lt3A_202 = arith.cmpi slt, %lt3A_201, %scan3A_84 : vector<16xi32>
        tpu.vector_store_idx %arg5[%add3A_200], %broadcast_in_dim3A_56 masked %lt3A_202 {add = true} : memref<2048xi32, #tpu.memory_space<vmem>>[vector<16xi32>], vector<16xi32>, vector<16xi1>
        %mul3A_203 = arith.constant 4 : i32
        %mul3A_204 = arith.muli %while3A_162, %mul3A_203 : i32
        %add3A_205 = arith.constant 2 : i32
        %add3A_206 = arith.addi %mul3A_204, %add3A_205 : i32
        %mul3A_207 = arith.constant 16 : i32
        %mul3A_208 = arith.muli %add3A_206, %mul3A_207 : i32
        %get3A_209 = arith.index_cast %mul3A_208 : i32 to index
        %get3A_210 = tpu.vector_load %arg6[%get3A_209] {strides = array<i32>} : memref<6144xi32, #tpu.memory_space<vmem>>, vector<16xi32>,
        %shift_right_arithmetic3A_211 = arith.constant 19 : i32
        %shift_right_arithmetic3A_212 = vector.broadcast %shift_right_arithmetic3A_211 : i32 to vector<16xi32>
        %shift_right_arithmetic3A_213 = arith.shrsi %get3A_210, %shift_right_arithmetic3A_212 : vector<16xi32>
        %and3A_214 = arith.constant 15 : i32
        %and3A_215 = vector.broadcast %and3A_214 : i32 to vector<16xi32>
        %and3A_216 = arith.andi %shift_right_arithmetic3A_213, %and3A_215 : vector<16xi32>
        %mul3A_217 = arith.constant 16 : i32
        %mul3A_218 = vector.broadcast %mul3A_217 : i32 to vector<16xi32>
        %mul3A_219 = arith.muli %and3A_216, %mul3A_218 : vector<16xi32>
        %add3A_220 = arith.addi %mul3A_219, %iota3A : vector<16xi32>
        %lt3A_221 = vector.broadcast %add3A_206 : i32 to vector<16xi32>
        %lt3A_222 = arith.cmpi slt, %lt3A_221, %scan3A_84 : vector<16xi32>
        tpu.vector_store_idx %arg5[%add3A_220], %broadcast_in_dim3A_56 masked %lt3A_222 {add = true} : memref<2048xi32, #tpu.memory_space<vmem>>[vector<16xi32>], vector<16xi32>, vector<16xi1>
        %mul3A_223 = arith.constant 4 : i32
        %mul3A_224 = arith.muli %while3A_162, %mul3A_223 : i32
        %add3A_225 = arith.constant 3 : i32
        %add3A_226 = arith.addi %mul3A_224, %add3A_225 : i32
        %mul3A_227 = arith.constant 16 : i32
        %mul3A_228 = arith.muli %add3A_226, %mul3A_227 : i32
        %get3A_229 = arith.index_cast %mul3A_228 : i32 to index
        %get3A_230 = tpu.vector_load %arg6[%get3A_229] {strides = array<i32>} : memref<6144xi32, #tpu.memory_space<vmem>>, vector<16xi32>,
        %shift_right_arithmetic3A_231 = arith.constant 19 : i32
        %shift_right_arithmetic3A_232 = vector.broadcast %shift_right_arithmetic3A_231 : i32 to vector<16xi32>
        %shift_right_arithmetic3A_233 = arith.shrsi %get3A_230, %shift_right_arithmetic3A_232 : vector<16xi32>
        %and3A_234 = arith.constant 15 : i32
        %and3A_235 = vector.broadcast %and3A_234 : i32 to vector<16xi32>
        %and3A_236 = arith.andi %shift_right_arithmetic3A_233, %and3A_235 : vector<16xi32>
        %mul3A_237 = arith.constant 16 : i32
        %mul3A_238 = vector.broadcast %mul3A_237 : i32 to vector<16xi32>
        %mul3A_239 = arith.muli %and3A_236, %mul3A_238 : vector<16xi32>
        %add3A_240 = arith.addi %mul3A_239, %iota3A : vector<16xi32>
        %lt3A_241 = vector.broadcast %add3A_226 : i32 to vector<16xi32>
        %lt3A_242 = arith.cmpi slt, %lt3A_241, %scan3A_84 : vector<16xi32>
        tpu.vector_store_idx %arg5[%add3A_240], %broadcast_in_dim3A_56 masked %lt3A_242 {add = true} : memref<2048xi32, #tpu.memory_space<vmem>>[vector<16xi32>], vector<16xi32>, vector<16xi1>
        %while3A_243 = arith.constant 0 : i32
        scf.yield %while3A_243 : i32
      }
      %scan3A_114 = arith.constant 0 : i32
      %scan3A_115 = arith.constant 4 : i32
      %scan3A_116 = arith.addi %scan3A_114, %scan3A_115 : i32
      %scan3A_117 = arith.constant 1 : i32
      %scan3A_118:4 = scf.for %scan3A_162 = %scan3A_114 to %scan3A_116 step %scan3A_117 iter_args(%scan3A_163 = %broadcast_in_dim3A_54, %scan3A_164 = %broadcast_in_dim3A_54, %scan3A_165 = %broadcast_in_dim3A_54, %scan3A_166 = %broadcast_in_dim3A_54) -> (vector<16xi32>, vector<16xi32>, vector<16xi32>, vector<16xi32>)  : i32 {
        %mul3A_167 = arith.constant 4 : i32
        %mul3A_168 = arith.muli %scan3A_162, %mul3A_167 : i32
        %add3A_169 = arith.constant 0 : i32
        %add3A_170 = arith.addi %mul3A_168, %add3A_169 : i32
        %sub3A_171 = arith.constant 15 : i32
        %sub3A_172 = arith.subi %sub3A_171, %add3A_170 : i32
        %mul3A_173 = arith.constant 16 : i32
        %mul3A_174 = arith.muli %sub3A_172, %mul3A_173 : i32
        %get3A = arith.index_cast %mul3A_174 : i32 to index
        %get3A_175 = tpu.vector_load %arg5[%get3A] {strides = array<i32>} : memref<2048xi32, #tpu.memory_space<vmem>>, vector<16xi32>,
        %add3A_176 = arith.addi %scan3A_163, %get3A_175 : vector<16xi32>
        %ge3A = arith.cmpi sge, %add3A_176, %sub3A_79 : vector<16xi32>
        %eq3A_177 = arith.constant 0 : i32
        %eq3A_178 = vector.broadcast %eq3A_177 : i32 to vector<16xi32>
        %eq3A_179 = arith.cmpi eq, %scan3A_166, %eq3A_178 : vector<16xi32>
        %and3A_180 = arith.andi %ge3A, %eq3A_179 : vector<16xi1>
        %broadcast_in_dim3A_181 = vector.broadcast %sub3A_172 : i32 to vector<16xi32>
        %select_n3A_182 = arith.select %and3A_180, %broadcast_in_dim3A_181, %scan3A_164 : vector<16xi1>, vector<16xi32>
        %select_n3A_183 = arith.select %and3A_180, %scan3A_163, %scan3A_165 : vector<16xi1>, vector<16xi32>
        %convert_element_type3A = arith.extui %and3A_180 : vector<16xi1> to vector<16xi32>
        %or3A_184 = arith.ori %scan3A_166, %convert_element_type3A : vector<16xi32>
        %mul3A_185 = arith.constant 4 : i32
        %mul3A_186 = arith.muli %scan3A_162, %mul3A_185 : i32
        %add3A_187 = arith.constant 1 : i32
        %add3A_188 = arith.addi %mul3A_186, %add3A_187 : i32
        %sub3A_189 = arith.constant 15 : i32
        %sub3A_190 = arith.subi %sub3A_189, %add3A_188 : i32
        %mul3A_191 = arith.constant 16 : i32
        %mul3A_192 = arith.muli %sub3A_190, %mul3A_191 : i32
        %get3A_193 = arith.index_cast %mul3A_192 : i32 to index
        %get3A_194 = tpu.vector_load %arg5[%get3A_193] {strides = array<i32>} : memref<2048xi32, #tpu.memory_space<vmem>>, vector<16xi32>,
        %add3A_195 = arith.addi %add3A_176, %get3A_194 : vector<16xi32>
        %ge3A_196 = arith.cmpi sge, %add3A_195, %sub3A_79 : vector<16xi32>
        %eq3A_197 = arith.constant 0 : i32
        %eq3A_198 = vector.broadcast %eq3A_197 : i32 to vector<16xi32>
        %eq3A_199 = arith.cmpi eq, %or3A_184, %eq3A_198 : vector<16xi32>
        %and3A_200 = arith.andi %ge3A_196, %eq3A_199 : vector<16xi1>
        %broadcast_in_dim3A_201 = vector.broadcast %sub3A_190 : i32 to vector<16xi32>
        %select_n3A_202 = arith.select %and3A_200, %broadcast_in_dim3A_201, %select_n3A_182 : vector<16xi1>, vector<16xi32>
        %select_n3A_203 = arith.select %and3A_200, %add3A_176, %select_n3A_183 : vector<16xi1>, vector<16xi32>
        %convert_element_type3A_204 = arith.extui %and3A_200 : vector<16xi1> to vector<16xi32>
        %or3A_205 = arith.ori %or3A_184, %convert_element_type3A_204 : vector<16xi32>
        %mul3A_206 = arith.constant 4 : i32
        %mul3A_207 = arith.muli %scan3A_162, %mul3A_206 : i32
        %add3A_208 = arith.constant 2 : i32
        %add3A_209 = arith.addi %mul3A_207, %add3A_208 : i32
        %sub3A_210 = arith.constant 15 : i32
        %sub3A_211 = arith.subi %sub3A_210, %add3A_209 : i32
        %mul3A_212 = arith.constant 16 : i32
        %mul3A_213 = arith.muli %sub3A_211, %mul3A_212 : i32
        %get3A_214 = arith.index_cast %mul3A_213 : i32 to index
        %get3A_215 = tpu.vector_load %arg5[%get3A_214] {strides = array<i32>} : memref<2048xi32, #tpu.memory_space<vmem>>, vector<16xi32>,
        %add3A_216 = arith.addi %add3A_195, %get3A_215 : vector<16xi32>
        %ge3A_217 = arith.cmpi sge, %add3A_216, %sub3A_79 : vector<16xi32>
        %eq3A_218 = arith.constant 0 : i32
        %eq3A_219 = vector.broadcast %eq3A_218 : i32 to vector<16xi32>
        %eq3A_220 = arith.cmpi eq, %or3A_205, %eq3A_219 : vector<16xi32>
        %and3A_221 = arith.andi %ge3A_217, %eq3A_220 : vector<16xi1>
        %broadcast_in_dim3A_222 = vector.broadcast %sub3A_211 : i32 to vector<16xi32>
        %select_n3A_223 = arith.select %and3A_221, %broadcast_in_dim3A_222, %select_n3A_202 : vector<16xi1>, vector<16xi32>
        %select_n3A_224 = arith.select %and3A_221, %add3A_195, %select_n3A_203 : vector<16xi1>, vector<16xi32>
        %convert_element_type3A_225 = arith.extui %and3A_221 : vector<16xi1> to vector<16xi32>
        %or3A_226 = arith.ori %or3A_205, %convert_element_type3A_225 : vector<16xi32>
        %mul3A_227 = arith.constant 4 : i32
        %mul3A_228 = arith.muli %scan3A_162, %mul3A_227 : i32
        %add3A_229 = arith.constant 3 : i32
        %add3A_230 = arith.addi %mul3A_228, %add3A_229 : i32
        %sub3A_231 = arith.constant 15 : i32
        %sub3A_232 = arith.subi %sub3A_231, %add3A_230 : i32
        %mul3A_233 = arith.constant 16 : i32
        %mul3A_234 = arith.muli %sub3A_232, %mul3A_233 : i32
        %get3A_235 = arith.index_cast %mul3A_234 : i32 to index
        %get3A_236 = tpu.vector_load %arg5[%get3A_235] {strides = array<i32>} : memref<2048xi32, #tpu.memory_space<vmem>>, vector<16xi32>,
        %add3A_237 = arith.addi %add3A_216, %get3A_236 : vector<16xi32>
        %ge3A_238 = arith.cmpi sge, %add3A_237, %sub3A_79 : vector<16xi32>
        %eq3A_239 = arith.constant 0 : i32
        %eq3A_240 = vector.broadcast %eq3A_239 : i32 to vector<16xi32>
        %eq3A_241 = arith.cmpi eq, %or3A_226, %eq3A_240 : vector<16xi32>
        %and3A_242 = arith.andi %ge3A_238, %eq3A_241 : vector<16xi1>
        %broadcast_in_dim3A_243 = vector.broadcast %sub3A_232 : i32 to vector<16xi32>
        %select_n3A_244 = arith.select %and3A_242, %broadcast_in_dim3A_243, %select_n3A_223 : vector<16xi1>, vector<16xi32>
        %select_n3A_245 = arith.select %and3A_242, %add3A_216, %select_n3A_224 : vector<16xi1>, vector<16xi32>
        %convert_element_type3A_246 = arith.extui %and3A_242 : vector<16xi1> to vector<16xi32>
        %or3A_247 = arith.ori %or3A_226, %convert_element_type3A_246 : vector<16xi32>
        scf.yield %add3A_237, %select_n3A_244, %select_n3A_245, %or3A_247 : vector<16xi32>, vector<16xi32>, vector<16xi32>, vector<16xi32>
      }
      %scan3A_119 = arith.constant 4 : i32
      %sub3A_120 = arith.subi %sub3A_79, %scan3A_118#2 : vector<16xi32>
      %add3A_121 = arith.constant 3 : i32
      %add3A_122 = arith.addi %reduce_max3A_92, %add3A_121 : i32
      %shift_right_arithmetic3A_123 = arith.constant 2 : i32
      %shift_right_arithmetic3A_124 = arith.shrsi %add3A_122, %shift_right_arithmetic3A_123 : i32
      %while3A_125 = arith.constant 0 : i32
      %while3A_126 = arith.subi %shift_right_arithmetic3A_124, %while3A_125 : i32
      %while3A_127 = arith.addi %while3A_125, %while3A_126 : i32
      %while3A_128 = arith.constant 1 : i32
      %while3A_129 = arith.divsi %while3A_126, %while3A_128 : i32
      %while3A_130 = arith.muli %while3A_129, %while3A_128 : i32
      %while3A_131 = arith.addi %while3A_125, %while3A_130 : i32
      %while3A_132 = arith.constant 1 : i32
      %while3A_133 = scf.for %while3A_162 = %while3A_125 to %while3A_131 step %while3A_132 iter_args(%while3A_163 = %broadcast_in_dim3A_54) -> (vector<16xi32>)  : i32 {
        %mul3A_164 = arith.constant 4 : i32
        %mul3A_165 = arith.muli %while3A_162, %mul3A_164 : i32
        %add3A_166 = arith.constant 0 : i32
        %add3A_167 = arith.addi %mul3A_165, %add3A_166 : i32
        %mul3A_168 = arith.constant 16 : i32
        %mul3A_169 = arith.muli %add3A_167, %mul3A_168 : i32
        %get3A = arith.index_cast %mul3A_169 : i32 to index
        %get3A_170 = tpu.vector_load %arg6[%get3A] {strides = array<i32>} : memref<6144xi32, #tpu.memory_space<vmem>>, vector<16xi32>,
        %lt3A_171 = vector.broadcast %add3A_167 : i32 to vector<16xi32>
        %lt3A_172 = arith.cmpi slt, %lt3A_171, %scan3A_84 : vector<16xi32>
        %shift_right_arithmetic3A_173 = arith.constant 19 : i32
        %shift_right_arithmetic3A_174 = vector.broadcast %shift_right_arithmetic3A_173 : i32 to vector<16xi32>
        %shift_right_arithmetic3A_175 = arith.shrsi %get3A_170, %shift_right_arithmetic3A_174 : vector<16xi32>
        %and3A_176 = arith.constant 15 : i32
        %and3A_177 = vector.broadcast %and3A_176 : i32 to vector<16xi32>
        %and3A_178 = arith.andi %shift_right_arithmetic3A_175, %and3A_177 : vector<16xi32>
        %eq3A_179 = arith.cmpi eq, %and3A_178, %scan3A_118#1 : vector<16xi32>
        %and3A_180 = arith.andi %lt3A_172, %eq3A_179 : vector<16xi1>
        %mul3A_181 = arith.constant 16 : i32
        %mul3A_182 = vector.broadcast %mul3A_181 : i32 to vector<16xi32>
        %mul3A_183 = arith.muli %while3A_163, %mul3A_182 : vector<16xi32>
        %add3A_184 = arith.addi %mul3A_183, %iota3A : vector<16xi32>
        %and3A_185 = arith.constant 524287 : i32
        %and3A_186 = vector.broadcast %and3A_185 : i32 to vector<16xi32>
        %and3A_187 = arith.andi %get3A_170, %and3A_186 : vector<16xi32>
        tpu.vector_store_idx %arg7[%add3A_184], %and3A_187 masked %and3A_180 : memref<6144xi32, #tpu.memory_space<vmem>>[vector<16xi32>], vector<16xi32>, vector<16xi1>
        %convert_element_type3A = arith.extui %and3A_180 : vector<16xi1> to vector<16xi32>
        %add3A_188 = arith.addi %while3A_163, %convert_element_type3A : vector<16xi32>
        %mul3A_189 = arith.constant 4 : i32
        %mul3A_190 = arith.muli %while3A_162, %mul3A_189 : i32
        %add3A_191 = arith.constant 1 : i32
        %add3A_192 = arith.addi %mul3A_190, %add3A_191 : i32
        %mul3A_193 = arith.constant 16 : i32
        %mul3A_194 = arith.muli %add3A_192, %mul3A_193 : i32
        %get3A_195 = arith.index_cast %mul3A_194 : i32 to index
        %get3A_196 = tpu.vector_load %arg6[%get3A_195] {strides = array<i32>} : memref<6144xi32, #tpu.memory_space<vmem>>, vector<16xi32>,
        %lt3A_197 = vector.broadcast %add3A_192 : i32 to vector<16xi32>
        %lt3A_198 = arith.cmpi slt, %lt3A_197, %scan3A_84 : vector<16xi32>
        %shift_right_arithmetic3A_199 = arith.constant 19 : i32
        %shift_right_arithmetic3A_200 = vector.broadcast %shift_right_arithmetic3A_199 : i32 to vector<16xi32>
        %shift_right_arithmetic3A_201 = arith.shrsi %get3A_196, %shift_right_arithmetic3A_200 : vector<16xi32>
        %and3A_202 = arith.constant 15 : i32
        %and3A_203 = vector.broadcast %and3A_202 : i32 to vector<16xi32>
        %and3A_204 = arith.andi %shift_right_arithmetic3A_201, %and3A_203 : vector<16xi32>
        %eq3A_205 = arith.cmpi eq, %and3A_204, %scan3A_118#1 : vector<16xi32>
        %and3A_206 = arith.andi %lt3A_198, %eq3A_205 : vector<16xi1>
        %mul3A_207 = arith.constant 16 : i32
        %mul3A_208 = vector.broadcast %mul3A_207 : i32 to vector<16xi32>
        %mul3A_209 = arith.muli %add3A_188, %mul3A_208 : vector<16xi32>
        %add3A_210 = arith.addi %mul3A_209, %iota3A : vector<16xi32>
        %and3A_211 = arith.constant 524287 : i32
        %and3A_212 = vector.broadcast %and3A_211 : i32 to vector<16xi32>
        %and3A_213 = arith.andi %get3A_196, %and3A_212 : vector<16xi32>
        tpu.vector_store_idx %arg7[%add3A_210], %and3A_213 masked %and3A_206 : memref<6144xi32, #tpu.memory_space<vmem>>[vector<16xi32>], vector<16xi32>, vector<16xi1>
        %convert_element_type3A_214 = arith.extui %and3A_206 : vector<16xi1> to vector<16xi32>
        %add3A_215 = arith.addi %add3A_188, %convert_element_type3A_214 : vector<16xi32>
        %mul3A_216 = arith.constant 4 : i32
        %mul3A_217 = arith.muli %while3A_162, %mul3A_216 : i32
        %add3A_218 = arith.constant 2 : i32
        %add3A_219 = arith.addi %mul3A_217, %add3A_218 : i32
        %mul3A_220 = arith.constant 16 : i32
        %mul3A_221 = arith.muli %add3A_219, %mul3A_220 : i32
        %get3A_222 = arith.index_cast %mul3A_221 : i32 to index
        %get3A_223 = tpu.vector_load %arg6[%get3A_222] {strides = array<i32>} : memref<6144xi32, #tpu.memory_space<vmem>>, vector<16xi32>,
        %lt3A_224 = vector.broadcast %add3A_219 : i32 to vector<16xi32>
        %lt3A_225 = arith.cmpi slt, %lt3A_224, %scan3A_84 : vector<16xi32>
        %shift_right_arithmetic3A_226 = arith.constant 19 : i32
        %shift_right_arithmetic3A_227 = vector.broadcast %shift_right_arithmetic3A_226 : i32 to vector<16xi32>
        %shift_right_arithmetic3A_228 = arith.shrsi %get3A_223, %shift_right_arithmetic3A_227 : vector<16xi32>
        %and3A_229 = arith.constant 15 : i32
        %and3A_230 = vector.broadcast %and3A_229 : i32 to vector<16xi32>
        %and3A_231 = arith.andi %shift_right_arithmetic3A_228, %and3A_230 : vector<16xi32>
        %eq3A_232 = arith.cmpi eq, %and3A_231, %scan3A_118#1 : vector<16xi32>
        %and3A_233 = arith.andi %lt3A_225, %eq3A_232 : vector<16xi1>
        %mul3A_234 = arith.constant 16 : i32
        %mul3A_235 = vector.broadcast %mul3A_234 : i32 to vector<16xi32>
        %mul3A_236 = arith.muli %add3A_215, %mul3A_235 : vector<16xi32>
        %add3A_237 = arith.addi %mul3A_236, %iota3A : vector<16xi32>
        %and3A_238 = arith.constant 524287 : i32
        %and3A_239 = vector.broadcast %and3A_238 : i32 to vector<16xi32>
        %and3A_240 = arith.andi %get3A_223, %and3A_239 : vector<16xi32>
        tpu.vector_store_idx %arg7[%add3A_237], %and3A_240 masked %and3A_233 : memref<6144xi32, #tpu.memory_space<vmem>>[vector<16xi32>], vector<16xi32>, vector<16xi1>
        %convert_element_type3A_241 = arith.extui %and3A_233 : vector<16xi1> to vector<16xi32>
        %add3A_242 = arith.addi %add3A_215, %convert_element_type3A_241 : vector<16xi32>
        %mul3A_243 = arith.constant 4 : i32
        %mul3A_244 = arith.muli %while3A_162, %mul3A_243 : i32
        %add3A_245 = arith.constant 3 : i32
        %add3A_246 = arith.addi %mul3A_244, %add3A_245 : i32
        %mul3A_247 = arith.constant 16 : i32
        %mul3A_248 = arith.muli %add3A_246, %mul3A_247 : i32
        %get3A_249 = arith.index_cast %mul3A_248 : i32 to index
        %get3A_250 = tpu.vector_load %arg6[%get3A_249] {strides = array<i32>} : memref<6144xi32, #tpu.memory_space<vmem>>, vector<16xi32>,
        %lt3A_251 = vector.broadcast %add3A_246 : i32 to vector<16xi32>
        %lt3A_252 = arith.cmpi slt, %lt3A_251, %scan3A_84 : vector<16xi32>
        %shift_right_arithmetic3A_253 = arith.constant 19 : i32
        %shift_right_arithmetic3A_254 = vector.broadcast %shift_right_arithmetic3A_253 : i32 to vector<16xi32>
        %shift_right_arithmetic3A_255 = arith.shrsi %get3A_250, %shift_right_arithmetic3A_254 : vector<16xi32>
        %and3A_256 = arith.constant 15 : i32
        %and3A_257 = vector.broadcast %and3A_256 : i32 to vector<16xi32>
        %and3A_258 = arith.andi %shift_right_arithmetic3A_255, %and3A_257 : vector<16xi32>
        %eq3A_259 = arith.cmpi eq, %and3A_258, %scan3A_118#1 : vector<16xi32>
        %and3A_260 = arith.andi %lt3A_252, %eq3A_259 : vector<16xi1>
        %mul3A_261 = arith.constant 16 : i32
        %mul3A_262 = vector.broadcast %mul3A_261 : i32 to vector<16xi32>
        %mul3A_263 = arith.muli %add3A_242, %mul3A_262 : vector<16xi32>
        %add3A_264 = arith.addi %mul3A_263, %iota3A : vector<16xi32>
        %and3A_265 = arith.constant 524287 : i32
        %and3A_266 = vector.broadcast %and3A_265 : i32 to vector<16xi32>
        %and3A_267 = arith.andi %get3A_250, %and3A_266 : vector<16xi32>
        tpu.vector_store_idx %arg7[%add3A_264], %and3A_267 masked %and3A_260 : memref<6144xi32, #tpu.memory_space<vmem>>[vector<16xi32>], vector<16xi32>, vector<16xi1>
        %convert_element_type3A_268 = arith.extui %and3A_260 : vector<16xi1> to vector<16xi32>
        %add3A_269 = arith.addi %add3A_242, %convert_element_type3A_268 : vector<16xi32>
        scf.yield %add3A_269 : vector<16xi32>
      }
      %while3A_134 = arith.constant 1 : i32
      %while3A_135 = scf.for %while3A_162 = %while3A_131 to %while3A_127 step %while3A_134 iter_args(%while3A_163 = %while3A_133) -> (vector<16xi32>)  : i32 {
        %mul3A_164 = arith.constant 4 : i32
        %mul3A_165 = arith.muli %while3A_162, %mul3A_164 : i32
        %add3A_166 = arith.constant 0 : i32
        %add3A_167 = arith.addi %mul3A_165, %add3A_166 : i32
        %mul3A_168 = arith.constant 16 : i32
        %mul3A_169 = arith.muli %add3A_167, %mul3A_168 : i32
        %get3A = arith.index_cast %mul3A_169 : i32 to index
        %get3A_170 = tpu.vector_load %arg6[%get3A] {strides = array<i32>} : memref<6144xi32, #tpu.memory_space<vmem>>, vector<16xi32>,
        %lt3A_171 = vector.broadcast %add3A_167 : i32 to vector<16xi32>
        %lt3A_172 = arith.cmpi slt, %lt3A_171, %scan3A_84 : vector<16xi32>
        %shift_right_arithmetic3A_173 = arith.constant 19 : i32
        %shift_right_arithmetic3A_174 = vector.broadcast %shift_right_arithmetic3A_173 : i32 to vector<16xi32>
        %shift_right_arithmetic3A_175 = arith.shrsi %get3A_170, %shift_right_arithmetic3A_174 : vector<16xi32>
        %and3A_176 = arith.constant 15 : i32
        %and3A_177 = vector.broadcast %and3A_176 : i32 to vector<16xi32>
        %and3A_178 = arith.andi %shift_right_arithmetic3A_175, %and3A_177 : vector<16xi32>
        %eq3A_179 = arith.cmpi eq, %and3A_178, %scan3A_118#1 : vector<16xi32>
        %and3A_180 = arith.andi %lt3A_172, %eq3A_179 : vector<16xi1>
        %mul3A_181 = arith.constant 16 : i32
        %mul3A_182 = vector.broadcast %mul3A_181 : i32 to vector<16xi32>
        %mul3A_183 = arith.muli %while3A_163, %mul3A_182 : vector<16xi32>
        %add3A_184 = arith.addi %mul3A_183, %iota3A : vector<16xi32>
        %and3A_185 = arith.constant 524287 : i32
        %and3A_186 = vector.broadcast %and3A_185 : i32 to vector<16xi32>
        %and3A_187 = arith.andi %get3A_170, %and3A_186 : vector<16xi32>
        tpu.vector_store_idx %arg7[%add3A_184], %and3A_187 masked %and3A_180 : memref<6144xi32, #tpu.memory_space<vmem>>[vector<16xi32>], vector<16xi32>, vector<16xi1>
        %convert_element_type3A = arith.extui %and3A_180 : vector<16xi1> to vector<16xi32>
        %add3A_188 = arith.addi %while3A_163, %convert_element_type3A : vector<16xi32>
        %mul3A_189 = arith.constant 4 : i32
        %mul3A_190 = arith.muli %while3A_162, %mul3A_189 : i32
        %add3A_191 = arith.constant 1 : i32
        %add3A_192 = arith.addi %mul3A_190, %add3A_191 : i32
        %mul3A_193 = arith.constant 16 : i32
        %mul3A_194 = arith.muli %add3A_192, %mul3A_193 : i32
        %get3A_195 = arith.index_cast %mul3A_194 : i32 to index
        %get3A_196 = tpu.vector_load %arg6[%get3A_195] {strides = array<i32>} : memref<6144xi32, #tpu.memory_space<vmem>>, vector<16xi32>,
        %lt3A_197 = vector.broadcast %add3A_192 : i32 to vector<16xi32>
        %lt3A_198 = arith.cmpi slt, %lt3A_197, %scan3A_84 : vector<16xi32>
        %shift_right_arithmetic3A_199 = arith.constant 19 : i32
        %shift_right_arithmetic3A_200 = vector.broadcast %shift_right_arithmetic3A_199 : i32 to vector<16xi32>
        %shift_right_arithmetic3A_201 = arith.shrsi %get3A_196, %shift_right_arithmetic3A_200 : vector<16xi32>
        %and3A_202 = arith.constant 15 : i32
        %and3A_203 = vector.broadcast %and3A_202 : i32 to vector<16xi32>
        %and3A_204 = arith.andi %shift_right_arithmetic3A_201, %and3A_203 : vector<16xi32>
        %eq3A_205 = arith.cmpi eq, %and3A_204, %scan3A_118#1 : vector<16xi32>
        %and3A_206 = arith.andi %lt3A_198, %eq3A_205 : vector<16xi1>
        %mul3A_207 = arith.constant 16 : i32
        %mul3A_208 = vector.broadcast %mul3A_207 : i32 to vector<16xi32>
        %mul3A_209 = arith.muli %add3A_188, %mul3A_208 : vector<16xi32>
        %add3A_210 = arith.addi %mul3A_209, %iota3A : vector<16xi32>
        %and3A_211 = arith.constant 524287 : i32
        %and3A_212 = vector.broadcast %and3A_211 : i32 to vector<16xi32>
        %and3A_213 = arith.andi %get3A_196, %and3A_212 : vector<16xi32>
        tpu.vector_store_idx %arg7[%add3A_210], %and3A_213 masked %and3A_206 : memref<6144xi32, #tpu.memory_space<vmem>>[vector<16xi32>], vector<16xi32>, vector<16xi1>
        %convert_element_type3A_214 = arith.extui %and3A_206 : vector<16xi1> to vector<16xi32>
        %add3A_215 = arith.addi %add3A_188, %convert_element_type3A_214 : vector<16xi32>
        %mul3A_216 = arith.constant 4 : i32
        %mul3A_217 = arith.muli %while3A_162, %mul3A_216 : i32
        %add3A_218 = arith.constant 2 : i32
        %add3A_219 = arith.addi %mul3A_217, %add3A_218 : i32
        %mul3A_220 = arith.constant 16 : i32
        %mul3A_221 = arith.muli %add3A_219, %mul3A_220 : i32
        %get3A_222 = arith.index_cast %mul3A_221 : i32 to index
        %get3A_223 = tpu.vector_load %arg6[%get3A_222] {strides = array<i32>} : memref<6144xi32, #tpu.memory_space<vmem>>, vector<16xi32>,
        %lt3A_224 = vector.broadcast %add3A_219 : i32 to vector<16xi32>
        %lt3A_225 = arith.cmpi slt, %lt3A_224, %scan3A_84 : vector<16xi32>
        %shift_right_arithmetic3A_226 = arith.constant 19 : i32
        %shift_right_arithmetic3A_227 = vector.broadcast %shift_right_arithmetic3A_226 : i32 to vector<16xi32>
        %shift_right_arithmetic3A_228 = arith.shrsi %get3A_223, %shift_right_arithmetic3A_227 : vector<16xi32>
        %and3A_229 = arith.constant 15 : i32
        %and3A_230 = vector.broadcast %and3A_229 : i32 to vector<16xi32>
        %and3A_231 = arith.andi %shift_right_arithmetic3A_228, %and3A_230 : vector<16xi32>
        %eq3A_232 = arith.cmpi eq, %and3A_231, %scan3A_118#1 : vector<16xi32>
        %and3A_233 = arith.andi %lt3A_225, %eq3A_232 : vector<16xi1>
        %mul3A_234 = arith.constant 16 : i32
        %mul3A_235 = vector.broadcast %mul3A_234 : i32 to vector<16xi32>
        %mul3A_236 = arith.muli %add3A_215, %mul3A_235 : vector<16xi32>
        %add3A_237 = arith.addi %mul3A_236, %iota3A : vector<16xi32>
        %and3A_238 = arith.constant 524287 : i32
        %and3A_239 = vector.broadcast %and3A_238 : i32 to vector<16xi32>
        %and3A_240 = arith.andi %get3A_223, %and3A_239 : vector<16xi32>
        tpu.vector_store_idx %arg7[%add3A_237], %and3A_240 masked %and3A_233 : memref<6144xi32, #tpu.memory_space<vmem>>[vector<16xi32>], vector<16xi32>, vector<16xi1>
        %convert_element_type3A_241 = arith.extui %and3A_233 : vector<16xi1> to vector<16xi32>
        %add3A_242 = arith.addi %add3A_215, %convert_element_type3A_241 : vector<16xi32>
        %mul3A_243 = arith.constant 4 : i32
        %mul3A_244 = arith.muli %while3A_162, %mul3A_243 : i32
        %add3A_245 = arith.constant 3 : i32
        %add3A_246 = arith.addi %mul3A_244, %add3A_245 : i32
        %mul3A_247 = arith.constant 16 : i32
        %mul3A_248 = arith.muli %add3A_246, %mul3A_247 : i32
        %get3A_249 = arith.index_cast %mul3A_248 : i32 to index
        %get3A_250 = tpu.vector_load %arg6[%get3A_249] {strides = array<i32>} : memref<6144xi32, #tpu.memory_space<vmem>>, vector<16xi32>,
        %lt3A_251 = vector.broadcast %add3A_246 : i32 to vector<16xi32>
        %lt3A_252 = arith.cmpi slt, %lt3A_251, %scan3A_84 : vector<16xi32>
        %shift_right_arithmetic3A_253 = arith.constant 19 : i32
        %shift_right_arithmetic3A_254 = vector.broadcast %shift_right_arithmetic3A_253 : i32 to vector<16xi32>
        %shift_right_arithmetic3A_255 = arith.shrsi %get3A_250, %shift_right_arithmetic3A_254 : vector<16xi32>
        %and3A_256 = arith.constant 15 : i32
        %and3A_257 = vector.broadcast %and3A_256 : i32 to vector<16xi32>
        %and3A_258 = arith.andi %shift_right_arithmetic3A_255, %and3A_257 : vector<16xi32>
        %eq3A_259 = arith.cmpi eq, %and3A_258, %scan3A_118#1 : vector<16xi32>
        %and3A_260 = arith.andi %lt3A_252, %eq3A_259 : vector<16xi1>
        %mul3A_261 = arith.constant 16 : i32
        %mul3A_262 = vector.broadcast %mul3A_261 : i32 to vector<16xi32>
        %mul3A_263 = arith.muli %add3A_242, %mul3A_262 : vector<16xi32>
        %add3A_264 = arith.addi %mul3A_263, %iota3A : vector<16xi32>
        %and3A_265 = arith.constant 524287 : i32
        %and3A_266 = vector.broadcast %and3A_265 : i32 to vector<16xi32>
        %and3A_267 = arith.andi %get3A_250, %and3A_266 : vector<16xi32>
        tpu.vector_store_idx %arg7[%add3A_264], %and3A_267 masked %and3A_260 : memref<6144xi32, #tpu.memory_space<vmem>>[vector<16xi32>], vector<16xi32>, vector<16xi1>
        %convert_element_type3A_268 = arith.extui %and3A_260 : vector<16xi1> to vector<16xi32>
        %add3A_269 = arith.addi %add3A_242, %convert_element_type3A_268 : vector<16xi32>
        scf.yield %add3A_269 : vector<16xi32>
      }
      %reduce_max3A_136 = arith.constant true
      %reduce_max3A_137 = vector.broadcast %reduce_max3A_136 : i1 to vector<16xi1>
      %reduce_max3A_138 = arith.constant -2147483648 : i32
      %reduce_max3A_139 = vector.broadcast %reduce_max3A_138 : i32 to vector<16xi32>
      %reduce_max3A_140 = arith.xori %while3A_135, %reduce_max3A_139 : vector<16xi32>
      %reduce_max3A_141 = tpu.scan <max>, %reduce_max3A_140 masked %reduce_max3A_137 : vector<16xi32>, vector<16xi1> -> vector<16xi32>
      %reduce_max3A_142 = arith.xori %reduce_max3A_141, %reduce_max3A_139 : vector<16xi32>
      %reduce_max3A_143 = vector.extract %reduce_max3A_142[15] : i32 from vector<16xi32>
      %broadcast_in_dim3A_144 = arith.constant 524288 : i32
      %broadcast_in_dim3A_145 = vector.broadcast %broadcast_in_dim3A_144 : i32 to vector<16xi32>
      %scan3A_146 = arith.constant 0 : i32
      %scan3A_147 = arith.constant 19 : i32
      %scan3A_148 = arith.addi %scan3A_146, %scan3A_147 : i32
      %scan3A_149 = arith.constant 1 : i32
      %scan3A_150:2 = scf.for %scan3A_162 = %scan3A_146 to %scan3A_148 step %scan3A_149 iter_args(%scan3A_163 = %broadcast_in_dim3A_54, %scan3A_164 = %broadcast_in_dim3A_145) -> (vector<16xi32>, vector<16xi32>)  : i32 {
        %sub3A_165 = arith.subi %scan3A_164, %scan3A_163 : vector<16xi32>
        %shift_right_arithmetic3A_166 = arith.constant 1 : i32
        %shift_right_arithmetic3A_167 = vector.broadcast %shift_right_arithmetic3A_166 : i32 to vector<16xi32>
        %shift_right_arithmetic3A_168 = arith.shrsi %sub3A_165, %shift_right_arithmetic3A_167 : vector<16xi32>
        %add3A_169 = arith.addi %scan3A_163, %shift_right_arithmetic3A_168 : vector<16xi32>
        %add3A_170 = arith.constant 3 : i32
        %add3A_171 = arith.addi %reduce_max3A_143, %add3A_170 : i32
        %shift_right_arithmetic3A_172 = arith.constant 2 : i32
        %shift_right_arithmetic3A_173 = arith.shrsi %add3A_171, %shift_right_arithmetic3A_172 : i32
        %while3A_174 = arith.constant 0 : i32
        %while3A_175 = arith.subi %shift_right_arithmetic3A_173, %while3A_174 : i32
        %while3A_176 = arith.addi %while3A_174, %while3A_175 : i32
        %while3A_177 = arith.constant 1 : i32
        %while3A_178 = arith.divsi %while3A_175, %while3A_177 : i32
        %while3A_179 = arith.muli %while3A_178, %while3A_177 : i32
        %while3A_180 = arith.addi %while3A_174, %while3A_179 : i32
        %while3A_181 = arith.constant 1 : i32
        %while3A_182 = scf.for %while3A_187 = %while3A_174 to %while3A_180 step %while3A_181 iter_args(%while3A_188 = %broadcast_in_dim3A_54) -> (vector<16xi32>)  : i32 {
          %mul3A_189 = arith.constant 4 : i32
          %mul3A_190 = arith.muli %while3A_187, %mul3A_189 : i32
          %add3A_191 = arith.constant 0 : i32
          %add3A_192 = arith.addi %mul3A_190, %add3A_191 : i32
          %lt3A_193 = vector.broadcast %add3A_192 : i32 to vector<16xi32>
          %lt3A_194 = arith.cmpi slt, %lt3A_193, %while3A_135 : vector<16xi32>
          %mul3A_195 = arith.constant 16 : i32
          %mul3A_196 = arith.muli %add3A_192, %mul3A_195 : i32
          %get3A = arith.index_cast %mul3A_196 : i32 to index
          %get3A_197 = tpu.vector_load %arg7[%get3A] {strides = array<i32>} : memref<6144xi32, #tpu.memory_space<vmem>>, vector<16xi32>,
          %ge3A_198 = arith.cmpi sge, %get3A_197, %add3A_169 : vector<16xi32>
          %and3A_199 = arith.andi %lt3A_194, %ge3A_198 : vector<16xi1>
          %convert_element_type3A = arith.extui %and3A_199 : vector<16xi1> to vector<16xi32>
          %add3A_200 = arith.addi %while3A_188, %convert_element_type3A : vector<16xi32>
          %mul3A_201 = arith.constant 4 : i32
          %mul3A_202 = arith.muli %while3A_187, %mul3A_201 : i32
          %add3A_203 = arith.constant 1 : i32
          %add3A_204 = arith.addi %mul3A_202, %add3A_203 : i32
          %lt3A_205 = vector.broadcast %add3A_204 : i32 to vector<16xi32>
          %lt3A_206 = arith.cmpi slt, %lt3A_205, %while3A_135 : vector<16xi32>
          %mul3A_207 = arith.constant 16 : i32
          %mul3A_208 = arith.muli %add3A_204, %mul3A_207 : i32
          %get3A_209 = arith.index_cast %mul3A_208 : i32 to index
          %get3A_210 = tpu.vector_load %arg7[%get3A_209] {strides = array<i32>} : memref<6144xi32, #tpu.memory_space<vmem>>, vector<16xi32>,
          %ge3A_211 = arith.cmpi sge, %get3A_210, %add3A_169 : vector<16xi32>
          %and3A_212 = arith.andi %lt3A_206, %ge3A_211 : vector<16xi1>
          %convert_element_type3A_213 = arith.extui %and3A_212 : vector<16xi1> to vector<16xi32>
          %add3A_214 = arith.addi %add3A_200, %convert_element_type3A_213 : vector<16xi32>
          %mul3A_215 = arith.constant 4 : i32
          %mul3A_216 = arith.muli %while3A_187, %mul3A_215 : i32
          %add3A_217 = arith.constant 2 : i32
          %add3A_218 = arith.addi %mul3A_216, %add3A_217 : i32
          %lt3A_219 = vector.broadcast %add3A_218 : i32 to vector<16xi32>
          %lt3A_220 = arith.cmpi slt, %lt3A_219, %while3A_135 : vector<16xi32>
          %mul3A_221 = arith.constant 16 : i32
          %mul3A_222 = arith.muli %add3A_218, %mul3A_221 : i32
          %get3A_223 = arith.index_cast %mul3A_222 : i32 to index
          %get3A_224 = tpu.vector_load %arg7[%get3A_223] {strides = array<i32>} : memref<6144xi32, #tpu.memory_space<vmem>>, vector<16xi32>,
          %ge3A_225 = arith.cmpi sge, %get3A_224, %add3A_169 : vector<16xi32>
          %and3A_226 = arith.andi %lt3A_220, %ge3A_225 : vector<16xi1>
          %convert_element_type3A_227 = arith.extui %and3A_226 : vector<16xi1> to vector<16xi32>
          %add3A_228 = arith.addi %add3A_214, %convert_element_type3A_227 : vector<16xi32>
          %mul3A_229 = arith.constant 4 : i32
          %mul3A_230 = arith.muli %while3A_187, %mul3A_229 : i32
          %add3A_231 = arith.constant 3 : i32
          %add3A_232 = arith.addi %mul3A_230, %add3A_231 : i32
          %lt3A_233 = vector.broadcast %add3A_232 : i32 to vector<16xi32>
          %lt3A_234 = arith.cmpi slt, %lt3A_233, %while3A_135 : vector<16xi32>
          %mul3A_235 = arith.constant 16 : i32
          %mul3A_236 = arith.muli %add3A_232, %mul3A_235 : i32
          %get3A_237 = arith.index_cast %mul3A_236 : i32 to index
          %get3A_238 = tpu.vector_load %arg7[%get3A_237] {strides = array<i32>} : memref<6144xi32, #tpu.memory_space<vmem>>, vector<16xi32>,
          %ge3A_239 = arith.cmpi sge, %get3A_238, %add3A_169 : vector<16xi32>
          %and3A_240 = arith.andi %lt3A_234, %ge3A_239 : vector<16xi1>
          %convert_element_type3A_241 = arith.extui %and3A_240 : vector<16xi1> to vector<16xi32>
          %add3A_242 = arith.addi %add3A_228, %convert_element_type3A_241 : vector<16xi32>
          scf.yield %add3A_242 : vector<16xi32>
        }
        %while3A_183 = arith.constant 1 : i32
        %while3A_184 = scf.for %while3A_187 = %while3A_180 to %while3A_176 step %while3A_183 iter_args(%while3A_188 = %while3A_182) -> (vector<16xi32>)  : i32 {
          %mul3A_189 = arith.constant 4 : i32
          %mul3A_190 = arith.muli %while3A_187, %mul3A_189 : i32
          %add3A_191 = arith.constant 0 : i32
          %add3A_192 = arith.addi %mul3A_190, %add3A_191 : i32
          %lt3A_193 = vector.broadcast %add3A_192 : i32 to vector<16xi32>
          %lt3A_194 = arith.cmpi slt, %lt3A_193, %while3A_135 : vector<16xi32>
          %mul3A_195 = arith.constant 16 : i32
          %mul3A_196 = arith.muli %add3A_192, %mul3A_195 : i32
          %get3A = arith.index_cast %mul3A_196 : i32 to index
          %get3A_197 = tpu.vector_load %arg7[%get3A] {strides = array<i32>} : memref<6144xi32, #tpu.memory_space<vmem>>, vector<16xi32>,
          %ge3A_198 = arith.cmpi sge, %get3A_197, %add3A_169 : vector<16xi32>
          %and3A_199 = arith.andi %lt3A_194, %ge3A_198 : vector<16xi1>
          %convert_element_type3A = arith.extui %and3A_199 : vector<16xi1> to vector<16xi32>
          %add3A_200 = arith.addi %while3A_188, %convert_element_type3A : vector<16xi32>
          %mul3A_201 = arith.constant 4 : i32
          %mul3A_202 = arith.muli %while3A_187, %mul3A_201 : i32
          %add3A_203 = arith.constant 1 : i32
          %add3A_204 = arith.addi %mul3A_202, %add3A_203 : i32
          %lt3A_205 = vector.broadcast %add3A_204 : i32 to vector<16xi32>
          %lt3A_206 = arith.cmpi slt, %lt3A_205, %while3A_135 : vector<16xi32>
          %mul3A_207 = arith.constant 16 : i32
          %mul3A_208 = arith.muli %add3A_204, %mul3A_207 : i32
          %get3A_209 = arith.index_cast %mul3A_208 : i32 to index
          %get3A_210 = tpu.vector_load %arg7[%get3A_209] {strides = array<i32>} : memref<6144xi32, #tpu.memory_space<vmem>>, vector<16xi32>,
          %ge3A_211 = arith.cmpi sge, %get3A_210, %add3A_169 : vector<16xi32>
          %and3A_212 = arith.andi %lt3A_206, %ge3A_211 : vector<16xi1>
          %convert_element_type3A_213 = arith.extui %and3A_212 : vector<16xi1> to vector<16xi32>
          %add3A_214 = arith.addi %add3A_200, %convert_element_type3A_213 : vector<16xi32>
          %mul3A_215 = arith.constant 4 : i32
          %mul3A_216 = arith.muli %while3A_187, %mul3A_215 : i32
          %add3A_217 = arith.constant 2 : i32
          %add3A_218 = arith.addi %mul3A_216, %add3A_217 : i32
          %lt3A_219 = vector.broadcast %add3A_218 : i32 to vector<16xi32>
          %lt3A_220 = arith.cmpi slt, %lt3A_219, %while3A_135 : vector<16xi32>
          %mul3A_221 = arith.constant 16 : i32
          %mul3A_222 = arith.muli %add3A_218, %mul3A_221 : i32
          %get3A_223 = arith.index_cast %mul3A_222 : i32 to index
          %get3A_224 = tpu.vector_load %arg7[%get3A_223] {strides = array<i32>} : memref<6144xi32, #tpu.memory_space<vmem>>, vector<16xi32>,
          %ge3A_225 = arith.cmpi sge, %get3A_224, %add3A_169 : vector<16xi32>
          %and3A_226 = arith.andi %lt3A_220, %ge3A_225 : vector<16xi1>
          %convert_element_type3A_227 = arith.extui %and3A_226 : vector<16xi1> to vector<16xi32>
          %add3A_228 = arith.addi %add3A_214, %convert_element_type3A_227 : vector<16xi32>
          %mul3A_229 = arith.constant 4 : i32
          %mul3A_230 = arith.muli %while3A_187, %mul3A_229 : i32
          %add3A_231 = arith.constant 3 : i32
          %add3A_232 = arith.addi %mul3A_230, %add3A_231 : i32
          %lt3A_233 = vector.broadcast %add3A_232 : i32 to vector<16xi32>
          %lt3A_234 = arith.cmpi slt, %lt3A_233, %while3A_135 : vector<16xi32>
          %mul3A_235 = arith.constant 16 : i32
          %mul3A_236 = arith.muli %add3A_232, %mul3A_235 : i32
          %get3A_237 = arith.index_cast %mul3A_236 : i32 to index
          %get3A_238 = tpu.vector_load %arg7[%get3A_237] {strides = array<i32>} : memref<6144xi32, #tpu.memory_space<vmem>>, vector<16xi32>,
          %ge3A_239 = arith.cmpi sge, %get3A_238, %add3A_169 : vector<16xi32>
          %and3A_240 = arith.andi %lt3A_234, %ge3A_239 : vector<16xi1>
          %convert_element_type3A_241 = arith.extui %and3A_240 : vector<16xi1> to vector<16xi32>
          %add3A_242 = arith.addi %add3A_228, %convert_element_type3A_241 : vector<16xi32>
          scf.yield %add3A_242 : vector<16xi32>
        }
        %ge3A = arith.cmpi sge, %while3A_184, %sub3A_120 : vector<16xi32>
        %select_n3A_185 = arith.select %ge3A, %add3A_169, %scan3A_163 : vector<16xi1>, vector<16xi32>
        %select_n3A_186 = arith.select %ge3A, %scan3A_164, %add3A_169 : vector<16xi1>, vector<16xi32>
        scf.yield %select_n3A_185, %select_n3A_186 : vector<16xi32>, vector<16xi32>
      }
      %scan3A_151 = arith.constant 19 : i32
      %shift_left3A = arith.constant 19 : i32
      %shift_left3A_152 = vector.broadcast %shift_left3A : i32 to vector<16xi32>
      %shift_left3A_153 = arith.shli %scan3A_118#1, %shift_left3A_152 : vector<16xi32>
      %or3A = arith.ori %shift_left3A_153, %scan3A_150#0 : vector<16xi32>
      %scan3A_154 = arith.constant 0 : i32
      %scan3A_155 = arith.constant 0 : i32
      %scan3A_156 = arith.constant 48 : i32
      %scan3A_157 = arith.addi %scan3A_155, %scan3A_156 : i32
      %scan3A_158 = arith.constant 1 : i32
      %scan3A_159 = scf.for %scan3A_162 = %scan3A_155 to %scan3A_157 step %scan3A_158 iter_args(%scan3A_163 = %scan3A_154) -> (i32)  : i32 {
        %mul3A_164 = arith.constant 8 : i32
        %mul3A_165 = arith.muli %scan3A_162, %mul3A_164 : i32
        %add3A_166 = arith.constant 0 : i32
        %add3A_167 = arith.addi %mul3A_165, %add3A_166 : i32
        %get3A = arith.index_cast %add3A_167 : i32 to index
        %get3A_168 = arith.index_cast %mul3A_53 : i32 to index
        %get3A_169 = tpu.vector_load %arg4[%get3A, %get3A_168] {strides = array<i32>} : memref<384x128xf32, #tpu.memory_space<vmem>>, vector<16xf32>,
        %bitcast_convert_type3A = tpu.bitcast %get3A_169 : vector<16xf32> -> vector<16xi32>
        %and3A_170 = arith.constant 2147483647 : i32
        %and3A_171 = vector.broadcast %and3A_170 : i32 to vector<16xi32>
        %and3A_172 = arith.andi %bitcast_convert_type3A, %and3A_171 : vector<16xi32>
        %shift_right_arithmetic3A_173 = arith.constant 23 : i32
        %shift_right_arithmetic3A_174 = vector.broadcast %shift_right_arithmetic3A_173 : i32 to vector<16xi32>
        %shift_right_arithmetic3A_175 = arith.shrsi %and3A_172, %shift_right_arithmetic3A_174 : vector<16xi32>
        %sub3A_176 = arith.constant 67 : i32
        %sub3A_177 = vector.broadcast %sub3A_176 : i32 to vector<16xi32>
        %sub3A_178 = arith.subi %shift_right_arithmetic3A_175, %sub3A_177 : vector<16xi32>
        %jit3A_179 = arith.constant 0 : i32
        %jit3A_180 = arith.constant 63 : i32
        %max3A = vector.broadcast %jit3A_179 : i32 to vector<16xi32>
        %max3A_181 = arith.maxsi %max3A, %sub3A_178 : vector<16xi32>
        %min3A = vector.broadcast %jit3A_180 : i32 to vector<16xi32>
        %min3A_182 = arith.minsi %min3A, %max3A_181 : vector<16xi32>
        %gt3A = arith.cmpi sgt, %min3A_182, %scan3A_75#1 : vector<16xi32>
        %eq3A_183 = arith.cmpi eq, %min3A_182, %scan3A_75#1 : vector<16xi32>
        %and3A_184 = arith.constant 8388607 : i32
        %and3A_185 = vector.broadcast %and3A_184 : i32 to vector<16xi32>
        %and3A_186 = arith.andi %and3A_172, %and3A_185 : vector<16xi32>
        %ge3A = arith.cmpi sge, %and3A_186, %or3A : vector<16xi32>
        %and3A_187 = arith.andi %eq3A_183, %ge3A : vector<16xi1>
        %or3A_188 = arith.ori %gt3A, %and3A_187 : vector<16xi1>
        %broadcast_in_dim3A_189 = arith.constant 0.000000e+00 : f32
        %broadcast_in_dim3A_190 = vector.broadcast %broadcast_in_dim3A_189 : f32 to vector<16xf32>
        %select_n3A_191 = arith.select %or3A_188, %get3A_169, %broadcast_in_dim3A_190 : vector<16xi1>, vector<16xf32>
        %swap3A = arith.index_cast %add3A_167 : i32 to index
        %swap3A_192 = arith.index_cast %mul3A_53 : i32 to index
        %swap3A_193 = tpu.vector_load %arg4[%swap3A, %swap3A_192] {strides = array<i32>} : memref<384x128xf32, #tpu.memory_space<vmem>>, vector<16xf32>,
        tpu.vector_store %arg4[%swap3A, %swap3A_192], %select_n3A_191 {strides = array<i32>} : memref<384x128xf32, #tpu.memory_space<vmem>>, vector<16xf32>,
        %mul3A_194 = arith.constant 8 : i32
        %mul3A_195 = arith.muli %scan3A_162, %mul3A_194 : i32
        %add3A_196 = arith.constant 1 : i32
        %add3A_197 = arith.addi %mul3A_195, %add3A_196 : i32
        %get3A_198 = arith.index_cast %add3A_197 : i32 to index
        %get3A_199 = arith.index_cast %mul3A_53 : i32 to index
        %get3A_200 = tpu.vector_load %arg4[%get3A_198, %get3A_199] {strides = array<i32>} : memref<384x128xf32, #tpu.memory_space<vmem>>, vector<16xf32>,
        %bitcast_convert_type3A_201 = tpu.bitcast %get3A_200 : vector<16xf32> -> vector<16xi32>
        %and3A_202 = arith.constant 2147483647 : i32
        %and3A_203 = vector.broadcast %and3A_202 : i32 to vector<16xi32>
        %and3A_204 = arith.andi %bitcast_convert_type3A_201, %and3A_203 : vector<16xi32>
        %shift_right_arithmetic3A_205 = arith.constant 23 : i32
        %shift_right_arithmetic3A_206 = vector.broadcast %shift_right_arithmetic3A_205 : i32 to vector<16xi32>
        %shift_right_arithmetic3A_207 = arith.shrsi %and3A_204, %shift_right_arithmetic3A_206 : vector<16xi32>
        %sub3A_208 = arith.constant 67 : i32
        %sub3A_209 = vector.broadcast %sub3A_208 : i32 to vector<16xi32>
        %sub3A_210 = arith.subi %shift_right_arithmetic3A_207, %sub3A_209 : vector<16xi32>
        %jit3A_211 = arith.constant 0 : i32
        %jit3A_212 = arith.constant 63 : i32
        %max3A_213 = vector.broadcast %jit3A_211 : i32 to vector<16xi32>
        %max3A_214 = arith.maxsi %max3A_213, %sub3A_210 : vector<16xi32>
        %min3A_215 = vector.broadcast %jit3A_212 : i32 to vector<16xi32>
        %min3A_216 = arith.minsi %min3A_215, %max3A_214 : vector<16xi32>
        %gt3A_217 = arith.cmpi sgt, %min3A_216, %scan3A_75#1 : vector<16xi32>
        %eq3A_218 = arith.cmpi eq, %min3A_216, %scan3A_75#1 : vector<16xi32>
        %and3A_219 = arith.constant 8388607 : i32
        %and3A_220 = vector.broadcast %and3A_219 : i32 to vector<16xi32>
        %and3A_221 = arith.andi %and3A_204, %and3A_220 : vector<16xi32>
        %ge3A_222 = arith.cmpi sge, %and3A_221, %or3A : vector<16xi32>
        %and3A_223 = arith.andi %eq3A_218, %ge3A_222 : vector<16xi1>
        %or3A_224 = arith.ori %gt3A_217, %and3A_223 : vector<16xi1>
        %broadcast_in_dim3A_225 = arith.constant 0.000000e+00 : f32
        %broadcast_in_dim3A_226 = vector.broadcast %broadcast_in_dim3A_225 : f32 to vector<16xf32>
        %select_n3A_227 = arith.select %or3A_224, %get3A_200, %broadcast_in_dim3A_226 : vector<16xi1>, vector<16xf32>
        %swap3A_228 = arith.index_cast %add3A_197 : i32 to index
        %swap3A_229 = arith.index_cast %mul3A_53 : i32 to index
        %swap3A_230 = tpu.vector_load %arg4[%swap3A_228, %swap3A_229] {strides = array<i32>} : memref<384x128xf32, #tpu.memory_space<vmem>>, vector<16xf32>,
        tpu.vector_store %arg4[%swap3A_228, %swap3A_229], %select_n3A_227 {strides = array<i32>} : memref<384x128xf32, #tpu.memory_space<vmem>>, vector<16xf32>,
        %mul3A_231 = arith.constant 8 : i32
        %mul3A_232 = arith.muli %scan3A_162, %mul3A_231 : i32
        %add3A_233 = arith.constant 2 : i32
        %add3A_234 = arith.addi %mul3A_232, %add3A_233 : i32
        %get3A_235 = arith.index_cast %add3A_234 : i32 to index
        %get3A_236 = arith.index_cast %mul3A_53 : i32 to index
        %get3A_237 = tpu.vector_load %arg4[%get3A_235, %get3A_236] {strides = array<i32>} : memref<384x128xf32, #tpu.memory_space<vmem>>, vector<16xf32>,
        %bitcast_convert_type3A_238 = tpu.bitcast %get3A_237 : vector<16xf32> -> vector<16xi32>
        %and3A_239 = arith.constant 2147483647 : i32
        %and3A_240 = vector.broadcast %and3A_239 : i32 to vector<16xi32>
        %and3A_241 = arith.andi %bitcast_convert_type3A_238, %and3A_240 : vector<16xi32>
        %shift_right_arithmetic3A_242 = arith.constant 23 : i32
        %shift_right_arithmetic3A_243 = vector.broadcast %shift_right_arithmetic3A_242 : i32 to vector<16xi32>
        %shift_right_arithmetic3A_244 = arith.shrsi %and3A_241, %shift_right_arithmetic3A_243 : vector<16xi32>
        %sub3A_245 = arith.constant 67 : i32
        %sub3A_246 = vector.broadcast %sub3A_245 : i32 to vector<16xi32>
        %sub3A_247 = arith.subi %shift_right_arithmetic3A_244, %sub3A_246 : vector<16xi32>
        %jit3A_248 = arith.constant 0 : i32
        %jit3A_249 = arith.constant 63 : i32
        %max3A_250 = vector.broadcast %jit3A_248 : i32 to vector<16xi32>
        %max3A_251 = arith.maxsi %max3A_250, %sub3A_247 : vector<16xi32>
        %min3A_252 = vector.broadcast %jit3A_249 : i32 to vector<16xi32>
        %min3A_253 = arith.minsi %min3A_252, %max3A_251 : vector<16xi32>
        %gt3A_254 = arith.cmpi sgt, %min3A_253, %scan3A_75#1 : vector<16xi32>
        %eq3A_255 = arith.cmpi eq, %min3A_253, %scan3A_75#1 : vector<16xi32>
        %and3A_256 = arith.constant 8388607 : i32
        %and3A_257 = vector.broadcast %and3A_256 : i32 to vector<16xi32>
        %and3A_258 = arith.andi %and3A_241, %and3A_257 : vector<16xi32>
        %ge3A_259 = arith.cmpi sge, %and3A_258, %or3A : vector<16xi32>
        %and3A_260 = arith.andi %eq3A_255, %ge3A_259 : vector<16xi1>
        %or3A_261 = arith.ori %gt3A_254, %and3A_260 : vector<16xi1>
        %broadcast_in_dim3A_262 = arith.constant 0.000000e+00 : f32
        %broadcast_in_dim3A_263 = vector.broadcast %broadcast_in_dim3A_262 : f32 to vector<16xf32>
        %select_n3A_264 = arith.select %or3A_261, %get3A_237, %broadcast_in_dim3A_263 : vector<16xi1>, vector<16xf32>
        %swap3A_265 = arith.index_cast %add3A_234 : i32 to index
        %swap3A_266 = arith.index_cast %mul3A_53 : i32 to index
        %swap3A_267 = tpu.vector_load %arg4[%swap3A_265, %swap3A_266] {strides = array<i32>} : memref<384x128xf32, #tpu.memory_space<vmem>>, vector<16xf32>,
        tpu.vector_store %arg4[%swap3A_265, %swap3A_266], %select_n3A_264 {strides = array<i32>} : memref<384x128xf32, #tpu.memory_space<vmem>>, vector<16xf32>,
        %mul3A_268 = arith.constant 8 : i32
        %mul3A_269 = arith.muli %scan3A_162, %mul3A_268 : i32
        %add3A_270 = arith.constant 3 : i32
        %add3A_271 = arith.addi %mul3A_269, %add3A_270 : i32
        %get3A_272 = arith.index_cast %add3A_271 : i32 to index
        %get3A_273 = arith.index_cast %mul3A_53 : i32 to index
        %get3A_274 = tpu.vector_load %arg4[%get3A_272, %get3A_273] {strides = array<i32>} : memref<384x128xf32, #tpu.memory_space<vmem>>, vector<16xf32>,
        %bitcast_convert_type3A_275 = tpu.bitcast %get3A_274 : vector<16xf32> -> vector<16xi32>
        %and3A_276 = arith.constant 2147483647 : i32
        %and3A_277 = vector.broadcast %and3A_276 : i32 to vector<16xi32>
        %and3A_278 = arith.andi %bitcast_convert_type3A_275, %and3A_277 : vector<16xi32>
        %shift_right_arithmetic3A_279 = arith.constant 23 : i32
        %shift_right_arithmetic3A_280 = vector.broadcast %shift_right_arithmetic3A_279 : i32 to vector<16xi32>
        %shift_right_arithmetic3A_281 = arith.shrsi %and3A_278, %shift_right_arithmetic3A_280 : vector<16xi32>
        %sub3A_282 = arith.constant 67 : i32
        %sub3A_283 = vector.broadcast %sub3A_282 : i32 to vector<16xi32>
        %sub3A_284 = arith.subi %shift_right_arithmetic3A_281, %sub3A_283 : vector<16xi32>
        %jit3A_285 = arith.constant 0 : i32
        %jit3A_286 = arith.constant 63 : i32
        %max3A_287 = vector.broadcast %jit3A_285 : i32 to vector<16xi32>
        %max3A_288 = arith.maxsi %max3A_287, %sub3A_284 : vector<16xi32>
        %min3A_289 = vector.broadcast %jit3A_286 : i32 to vector<16xi32>
        %min3A_290 = arith.minsi %min3A_289, %max3A_288 : vector<16xi32>
        %gt3A_291 = arith.cmpi sgt, %min3A_290, %scan3A_75#1 : vector<16xi32>
        %eq3A_292 = arith.cmpi eq, %min3A_290, %scan3A_75#1 : vector<16xi32>
        %and3A_293 = arith.constant 8388607 : i32
        %and3A_294 = vector.broadcast %and3A_293 : i32 to vector<16xi32>
        %and3A_295 = arith.andi %and3A_278, %and3A_294 : vector<16xi32>
        %ge3A_296 = arith.cmpi sge, %and3A_295, %or3A : vector<16xi32>
        %and3A_297 = arith.andi %eq3A_292, %ge3A_296 : vector<16xi1>
        %or3A_298 = arith.ori %gt3A_291, %and3A_297 : vector<16xi1>
        %broadcast_in_dim3A_299 = arith.constant 0.000000e+00 : f32
        %broadcast_in_dim3A_300 = vector.broadcast %broadcast_in_dim3A_299 : f32 to vector<16xf32>
        %select_n3A_301 = arith.select %or3A_298, %get3A_274, %broadcast_in_dim3A_300 : vector<16xi1>, vector<16xf32>
        %swap3A_302 = arith.index_cast %add3A_271 : i32 to index
        %swap3A_303 = arith.index_cast %mul3A_53 : i32 to index
        %swap3A_304 = tpu.vector_load %arg4[%swap3A_302, %swap3A_303] {strides = array<i32>} : memref<384x128xf32, #tpu.memory_space<vmem>>, vector<16xf32>,
        tpu.vector_store %arg4[%swap3A_302, %swap3A_303], %select_n3A_301 {strides = array<i32>} : memref<384x128xf32, #tpu.memory_space<vmem>>, vector<16xf32>,
        %mul3A_305 = arith.constant 8 : i32
        %mul3A_306 = arith.muli %scan3A_162, %mul3A_305 : i32
        %add3A_307 = arith.constant 4 : i32
        %add3A_308 = arith.addi %mul3A_306, %add3A_307 : i32
        %get3A_309 = arith.index_cast %add3A_308 : i32 to index
        %get3A_310 = arith.index_cast %mul3A_53 : i32 to index
        %get3A_311 = tpu.vector_load %arg4[%get3A_309, %get3A_310] {strides = array<i32>} : memref<384x128xf32, #tpu.memory_space<vmem>>, vector<16xf32>,
        %bitcast_convert_type3A_312 = tpu.bitcast %get3A_311 : vector<16xf32> -> vector<16xi32>
        %and3A_313 = arith.constant 2147483647 : i32
        %and3A_314 = vector.broadcast %and3A_313 : i32 to vector<16xi32>
        %and3A_315 = arith.andi %bitcast_convert_type3A_312, %and3A_314 : vector<16xi32>
        %shift_right_arithmetic3A_316 = arith.constant 23 : i32
        %shift_right_arithmetic3A_317 = vector.broadcast %shift_right_arithmetic3A_316 : i32 to vector<16xi32>
        %shift_right_arithmetic3A_318 = arith.shrsi %and3A_315, %shift_right_arithmetic3A_317 : vector<16xi32>
        %sub3A_319 = arith.constant 67 : i32
        %sub3A_320 = vector.broadcast %sub3A_319 : i32 to vector<16xi32>
        %sub3A_321 = arith.subi %shift_right_arithmetic3A_318, %sub3A_320 : vector<16xi32>
        %jit3A_322 = arith.constant 0 : i32
        %jit3A_323 = arith.constant 63 : i32
        %max3A_324 = vector.broadcast %jit3A_322 : i32 to vector<16xi32>
        %max3A_325 = arith.maxsi %max3A_324, %sub3A_321 : vector<16xi32>
        %min3A_326 = vector.broadcast %jit3A_323 : i32 to vector<16xi32>
        %min3A_327 = arith.minsi %min3A_326, %max3A_325 : vector<16xi32>
        %gt3A_328 = arith.cmpi sgt, %min3A_327, %scan3A_75#1 : vector<16xi32>
        %eq3A_329 = arith.cmpi eq, %min3A_327, %scan3A_75#1 : vector<16xi32>
        %and3A_330 = arith.constant 8388607 : i32
        %and3A_331 = vector.broadcast %and3A_330 : i32 to vector<16xi32>
        %and3A_332 = arith.andi %and3A_315, %and3A_331 : vector<16xi32>
        %ge3A_333 = arith.cmpi sge, %and3A_332, %or3A : vector<16xi32>
        %and3A_334 = arith.andi %eq3A_329, %ge3A_333 : vector<16xi1>
        %or3A_335 = arith.ori %gt3A_328, %and3A_334 : vector<16xi1>
        %broadcast_in_dim3A_336 = arith.constant 0.000000e+00 : f32
        %broadcast_in_dim3A_337 = vector.broadcast %broadcast_in_dim3A_336 : f32 to vector<16xf32>
        %select_n3A_338 = arith.select %or3A_335, %get3A_311, %broadcast_in_dim3A_337 : vector<16xi1>, vector<16xf32>
        %swap3A_339 = arith.index_cast %add3A_308 : i32 to index
        %swap3A_340 = arith.index_cast %mul3A_53 : i32 to index
        %swap3A_341 = tpu.vector_load %arg4[%swap3A_339, %swap3A_340] {strides = array<i32>} : memref<384x128xf32, #tpu.memory_space<vmem>>, vector<16xf32>,
        tpu.vector_store %arg4[%swap3A_339, %swap3A_340], %select_n3A_338 {strides = array<i32>} : memref<384x128xf32, #tpu.memory_space<vmem>>, vector<16xf32>,
        %mul3A_342 = arith.constant 8 : i32
        %mul3A_343 = arith.muli %scan3A_162, %mul3A_342 : i32
        %add3A_344 = arith.constant 5 : i32
        %add3A_345 = arith.addi %mul3A_343, %add3A_344 : i32
        %get3A_346 = arith.index_cast %add3A_345 : i32 to index
        %get3A_347 = arith.index_cast %mul3A_53 : i32 to index
        %get3A_348 = tpu.vector_load %arg4[%get3A_346, %get3A_347] {strides = array<i32>} : memref<384x128xf32, #tpu.memory_space<vmem>>, vector<16xf32>,
        %bitcast_convert_type3A_349 = tpu.bitcast %get3A_348 : vector<16xf32> -> vector<16xi32>
        %and3A_350 = arith.constant 2147483647 : i32
        %and3A_351 = vector.broadcast %and3A_350 : i32 to vector<16xi32>
        %and3A_352 = arith.andi %bitcast_convert_type3A_349, %and3A_351 : vector<16xi32>
        %shift_right_arithmetic3A_353 = arith.constant 23 : i32
        %shift_right_arithmetic3A_354 = vector.broadcast %shift_right_arithmetic3A_353 : i32 to vector<16xi32>
        %shift_right_arithmetic3A_355 = arith.shrsi %and3A_352, %shift_right_arithmetic3A_354 : vector<16xi32>
        %sub3A_356 = arith.constant 67 : i32
        %sub3A_357 = vector.broadcast %sub3A_356 : i32 to vector<16xi32>
        %sub3A_358 = arith.subi %shift_right_arithmetic3A_355, %sub3A_357 : vector<16xi32>
        %jit3A_359 = arith.constant 0 : i32
        %jit3A_360 = arith.constant 63 : i32
        %max3A_361 = vector.broadcast %jit3A_359 : i32 to vector<16xi32>
        %max3A_362 = arith.maxsi %max3A_361, %sub3A_358 : vector<16xi32>
        %min3A_363 = vector.broadcast %jit3A_360 : i32 to vector<16xi32>
        %min3A_364 = arith.minsi %min3A_363, %max3A_362 : vector<16xi32>
        %gt3A_365 = arith.cmpi sgt, %min3A_364, %scan3A_75#1 : vector<16xi32>
        %eq3A_366 = arith.cmpi eq, %min3A_364, %scan3A_75#1 : vector<16xi32>
        %and3A_367 = arith.constant 8388607 : i32
        %and3A_368 = vector.broadcast %and3A_367 : i32 to vector<16xi32>
        %and3A_369 = arith.andi %and3A_352, %and3A_368 : vector<16xi32>
        %ge3A_370 = arith.cmpi sge, %and3A_369, %or3A : vector<16xi32>
        %and3A_371 = arith.andi %eq3A_366, %ge3A_370 : vector<16xi1>
        %or3A_372 = arith.ori %gt3A_365, %and3A_371 : vector<16xi1>
        %broadcast_in_dim3A_373 = arith.constant 0.000000e+00 : f32
        %broadcast_in_dim3A_374 = vector.broadcast %broadcast_in_dim3A_373 : f32 to vector<16xf32>
        %select_n3A_375 = arith.select %or3A_372, %get3A_348, %broadcast_in_dim3A_374 : vector<16xi1>, vector<16xf32>
        %swap3A_376 = arith.index_cast %add3A_345 : i32 to index
        %swap3A_377 = arith.index_cast %mul3A_53 : i32 to index
        %swap3A_378 = tpu.vector_load %arg4[%swap3A_376, %swap3A_377] {strides = array<i32>} : memref<384x128xf32, #tpu.memory_space<vmem>>, vector<16xf32>,
        tpu.vector_store %arg4[%swap3A_376, %swap3A_377], %select_n3A_375 {strides = array<i32>} : memref<384x128xf32, #tpu.memory_space<vmem>>, vector<16xf32>,
        %mul3A_379 = arith.constant 8 : i32
        %mul3A_380 = arith.muli %scan3A_162, %mul3A_379 : i32
        %add3A_381 = arith.constant 6 : i32
        %add3A_382 = arith.addi %mul3A_380, %add3A_381 : i32
        %get3A_383 = arith.index_cast %add3A_382 : i32 to index
        %get3A_384 = arith.index_cast %mul3A_53 : i32 to index
        %get3A_385 = tpu.vector_load %arg4[%get3A_383, %get3A_384] {strides = array<i32>} : memref<384x128xf32, #tpu.memory_space<vmem>>, vector<16xf32>,
        %bitcast_convert_type3A_386 = tpu.bitcast %get3A_385 : vector<16xf32> -> vector<16xi32>
        %and3A_387 = arith.constant 2147483647 : i32
        %and3A_388 = vector.broadcast %and3A_387 : i32 to vector<16xi32>
        %and3A_389 = arith.andi %bitcast_convert_type3A_386, %and3A_388 : vector<16xi32>
        %shift_right_arithmetic3A_390 = arith.constant 23 : i32
        %shift_right_arithmetic3A_391 = vector.broadcast %shift_right_arithmetic3A_390 : i32 to vector<16xi32>
        %shift_right_arithmetic3A_392 = arith.shrsi %and3A_389, %shift_right_arithmetic3A_391 : vector<16xi32>
        %sub3A_393 = arith.constant 67 : i32
        %sub3A_394 = vector.broadcast %sub3A_393 : i32 to vector<16xi32>
        %sub3A_395 = arith.subi %shift_right_arithmetic3A_392, %sub3A_394 : vector<16xi32>
        %jit3A_396 = arith.constant 0 : i32
        %jit3A_397 = arith.constant 63 : i32
        %max3A_398 = vector.broadcast %jit3A_396 : i32 to vector<16xi32>
        %max3A_399 = arith.maxsi %max3A_398, %sub3A_395 : vector<16xi32>
        %min3A_400 = vector.broadcast %jit3A_397 : i32 to vector<16xi32>
        %min3A_401 = arith.minsi %min3A_400, %max3A_399 : vector<16xi32>
        %gt3A_402 = arith.cmpi sgt, %min3A_401, %scan3A_75#1 : vector<16xi32>
        %eq3A_403 = arith.cmpi eq, %min3A_401, %scan3A_75#1 : vector<16xi32>
        %and3A_404 = arith.constant 8388607 : i32
        %and3A_405 = vector.broadcast %and3A_404 : i32 to vector<16xi32>
        %and3A_406 = arith.andi %and3A_389, %and3A_405 : vector<16xi32>
        %ge3A_407 = arith.cmpi sge, %and3A_406, %or3A : vector<16xi32>
        %and3A_408 = arith.andi %eq3A_403, %ge3A_407 : vector<16xi1>
        %or3A_409 = arith.ori %gt3A_402, %and3A_408 : vector<16xi1>
        %broadcast_in_dim3A_410 = arith.constant 0.000000e+00 : f32
        %broadcast_in_dim3A_411 = vector.broadcast %broadcast_in_dim3A_410 : f32 to vector<16xf32>
        %select_n3A_412 = arith.select %or3A_409, %get3A_385, %broadcast_in_dim3A_411 : vector<16xi1>, vector<16xf32>
        %swap3A_413 = arith.index_cast %add3A_382 : i32 to index
        %swap3A_414 = arith.index_cast %mul3A_53 : i32 to index
        %swap3A_415 = tpu.vector_load %arg4[%swap3A_413, %swap3A_414] {strides = array<i32>} : memref<384x128xf32, #tpu.memory_space<vmem>>, vector<16xf32>,
        tpu.vector_store %arg4[%swap3A_413, %swap3A_414], %select_n3A_412 {strides = array<i32>} : memref<384x128xf32, #tpu.memory_space<vmem>>, vector<16xf32>,
        %mul3A_416 = arith.constant 8 : i32
        %mul3A_417 = arith.muli %scan3A_162, %mul3A_416 : i32
        %add3A_418 = arith.constant 7 : i32
        %add3A_419 = arith.addi %mul3A_417, %add3A_418 : i32
        %get3A_420 = arith.index_cast %add3A_419 : i32 to index
        %get3A_421 = arith.index_cast %mul3A_53 : i32 to index
        %get3A_422 = tpu.vector_load %arg4[%get3A_420, %get3A_421] {strides = array<i32>} : memref<384x128xf32, #tpu.memory_space<vmem>>, vector<16xf32>,
        %bitcast_convert_type3A_423 = tpu.bitcast %get3A_422 : vector<16xf32> -> vector<16xi32>
        %and3A_424 = arith.constant 2147483647 : i32
        %and3A_425 = vector.broadcast %and3A_424 : i32 to vector<16xi32>
        %and3A_426 = arith.andi %bitcast_convert_type3A_423, %and3A_425 : vector<16xi32>
        %shift_right_arithmetic3A_427 = arith.constant 23 : i32
        %shift_right_arithmetic3A_428 = vector.broadcast %shift_right_arithmetic3A_427 : i32 to vector<16xi32>
        %shift_right_arithmetic3A_429 = arith.shrsi %and3A_426, %shift_right_arithmetic3A_428 : vector<16xi32>
        %sub3A_430 = arith.constant 67 : i32
        %sub3A_431 = vector.broadcast %sub3A_430 : i32 to vector<16xi32>
        %sub3A_432 = arith.subi %shift_right_arithmetic3A_429, %sub3A_431 : vector<16xi32>
        %jit3A_433 = arith.constant 0 : i32
        %jit3A_434 = arith.constant 63 : i32
        %max3A_435 = vector.broadcast %jit3A_433 : i32 to vector<16xi32>
        %max3A_436 = arith.maxsi %max3A_435, %sub3A_432 : vector<16xi32>
        %min3A_437 = vector.broadcast %jit3A_434 : i32 to vector<16xi32>
        %min3A_438 = arith.minsi %min3A_437, %max3A_436 : vector<16xi32>
        %gt3A_439 = arith.cmpi sgt, %min3A_438, %scan3A_75#1 : vector<16xi32>
        %eq3A_440 = arith.cmpi eq, %min3A_438, %scan3A_75#1 : vector<16xi32>
        %and3A_441 = arith.constant 8388607 : i32
        %and3A_442 = vector.broadcast %and3A_441 : i32 to vector<16xi32>
        %and3A_443 = arith.andi %and3A_426, %and3A_442 : vector<16xi32>
        %ge3A_444 = arith.cmpi sge, %and3A_443, %or3A : vector<16xi32>
        %and3A_445 = arith.andi %eq3A_440, %ge3A_444 : vector<16xi1>
        %or3A_446 = arith.ori %gt3A_439, %and3A_445 : vector<16xi1>
        %broadcast_in_dim3A_447 = arith.constant 0.000000e+00 : f32
        %broadcast_in_dim3A_448 = vector.broadcast %broadcast_in_dim3A_447 : f32 to vector<16xf32>
        %select_n3A_449 = arith.select %or3A_446, %get3A_422, %broadcast_in_dim3A_448 : vector<16xi1>, vector<16xf32>
        %swap3A_450 = arith.index_cast %add3A_419 : i32 to index
        %swap3A_451 = arith.index_cast %mul3A_53 : i32 to index
        %swap3A_452 = tpu.vector_load %arg4[%swap3A_450, %swap3A_451] {strides = array<i32>} : memref<384x128xf32, #tpu.memory_space<vmem>>, vector<16xf32>,
        tpu.vector_store %arg4[%swap3A_450, %swap3A_451], %select_n3A_449 {strides = array<i32>} : memref<384x128xf32, #tpu.memory_space<vmem>>, vector<16xf32>,
        %scan3A_453 = arith.constant 0 : i32
        scf.yield %scan3A_453 : i32
      }
      %scan3A_160 = arith.constant 48 : i32
      %scan3A_161 = arith.constant 0 : i32
      scf.yield %scan3A_161 : i32
    }
    %scan3A_45 = arith.constant 8 : i32
    %sub3A_46 = arith.constant 12 : i32
    %sub3A_47 = arith.subi %select_n3A, %sub3A_46 : i32
    "tpu.region"() ({
      %run_scoped3A = tpu.sem_alloc : memref<!tpu.dma_semaphore, #tpu.memory_space<semaphore_mem>>
      %dma_start3A = arith.constant 0 : i32
      %dma_start3A_50 = tpu.memref_slice %arg3[%sub3A_47, %dma_start3A, %mul3A_38] : memref<4x384x1024xf32, #tpu.memory_space<hbm>> -> memref<1x384x128xf32, #tpu.memory_space<hbm>>
      %dma_start3A_51 = tpu.memref_squeeze %dma_start3A_50 : memref<1x384x128xf32, #tpu.memory_space<hbm>> -> memref<384x128xf32, #tpu.memory_space<hbm>>
      %dma_start3A_52 = arith.constant 0 : i32
      %dma_start3A_53 = tpu.memref_slice %arg3[%sub3A_47, %dma_start3A_52, %mul3A_38] : memref<4x384x1024xf32, #tpu.memory_space<hbm>> -> memref<1x384x128xf32, #tpu.memory_space<hbm>>
      %dma_start3A_54 = tpu.memref_squeeze %dma_start3A_53 : memref<1x384x128xf32, #tpu.memory_space<hbm>> -> memref<384x128xf32, #tpu.memory_space<hbm>>
      tpu.enqueue_dma source(%arg4 : memref<384x128xf32, #tpu.memory_space<vmem>>) target(%dma_start3A_54 : memref<384x128xf32, #tpu.memory_space<hbm>>) target_semaphore(%run_scoped3A : memref<!tpu.dma_semaphore, #tpu.memory_space<semaphore_mem>>)
      %dma_wait3A = arith.constant 0 : i32
      %dma_wait3A_55 = tpu.memref_slice %arg3[%sub3A_47, %dma_wait3A, %mul3A_38] : memref<4x384x1024xf32, #tpu.memory_space<hbm>> -> memref<1x384x128xf32, #tpu.memory_space<hbm>>
      %dma_wait3A_56 = tpu.memref_squeeze %dma_wait3A_55 : memref<1x384x128xf32, #tpu.memory_space<hbm>> -> memref<384x128xf32, #tpu.memory_space<hbm>>
      %dma_wait3A_57 = arith.constant 0 : i32
      %dma_wait3A_58 = tpu.memref_slice %arg3[%sub3A_47, %dma_wait3A_57, %mul3A_38] : memref<4x384x1024xf32, #tpu.memory_space<hbm>> -> memref<1x384x128xf32, #tpu.memory_space<hbm>>
      %dma_wait3A_59 = tpu.memref_squeeze %dma_wait3A_58 : memref<1x384x128xf32, #tpu.memory_space<hbm>> -> memref<384x128xf32, #tpu.memory_space<hbm>>
      tpu.wait_dma2 semaphore(%run_scoped3A : memref<!tpu.dma_semaphore, #tpu.memory_space<semaphore_mem>>) src(%arg4 : memref<384x128xf32, #tpu.memory_space<vmem>>) dst(%dma_wait3A_59 : memref<384x128xf32, #tpu.memory_space<hbm>>)
      tpu.yield
    }) : () -> ()
    %scan3A_48 = arith.constant 0 : i32
    %scan3A_49 = arith.constant 1 : i32
    return
  }
}

module attributes {stable_mosaic.version = 14 : i64} {
  func.func @_tc_mask_kernel(%arg0: i32, %arg1: memref<1x384x1024xf32, #tpu.memory_space<vmem>>, %arg2: memref<1x384x1024xf32, #tpu.memory_space<vmem>>, %arg3: memref<384x1024xi32, #tpu.memory_space<vmem>>) attributes {dimension_semantics = [#tpu.dimension_semantics<arbitrary>], iteration_bounds = array<i64: 12>, scalar_prefetch = 0 : i64, scratch_operands = 1 : i64, tpu.core_type = #tpu.core_type<tc>, window_params = [{transform_indices = @transform_0, window_bounds = array<i64: 1, 384, 1024>}, {transform_indices = @transform_1, window_bounds = array<i64: 1, 384, 1024>}]} {
    %get3A = arith.constant 0 : index
    %get3A_0 = arith.constant 0 : index
    %get3A_1 = arith.constant 0 : index
    %get3A_2 = vector.load %arg1[%get3A, %get3A_0, %get3A_1] : memref<1x384x1024xf32, #tpu.memory_space<vmem>>, vector<1x384x1024xf32>
    %get3A_3 = vector.shape_cast %get3A_2 : vector<1x384x1024xf32> to vector<384x1024xf32>
    %abs3A = math.absf %get3A_3 : vector<384x1024xf32>
    %bitcast_convert_type3A = tpu.bitcast %abs3A : vector<384x1024xf32> -> vector<384x1024xi32>
    %swap3A = arith.constant 0 : index
    %swap3A_4 = arith.constant 0 : index
    %swap3A_5 = vector.load %arg3[%swap3A, %swap3A_4] : memref<384x1024xi32, #tpu.memory_space<vmem>>, vector<384x1024xi32>
    tpu.vector_store %arg3[%swap3A, %swap3A_4], %bitcast_convert_type3A {strides = array<i32>} : memref<384x1024xi32, #tpu.memory_space<vmem>>, vector<384x1024xi32>,
    %broadcast_in_dim3A = arith.constant 0 : i32
    %broadcast_in_dim3A_6 = vector.broadcast %broadcast_in_dim3A : i32 to vector<1x1024xi32>
    %broadcast_in_dim3A_7 = arith.constant 2147483647 : i32
    %broadcast_in_dim3A_8 = vector.broadcast %broadcast_in_dim3A_7 : i32 to vector<1x1024xi32>
    %scan3A = arith.constant 0 : i32
    %scan3A_9 = arith.constant 31 : i32
    %scan3A_10 = arith.addi %scan3A, %scan3A_9 : i32
    %scan3A_11 = arith.constant 1 : i32
    %scan3A_12:2 = scf.for %scan3A_25 = %scan3A to %scan3A_10 step %scan3A_11 iter_args(%scan3A_26 = %broadcast_in_dim3A_6, %scan3A_27 = %broadcast_in_dim3A_8) -> (vector<1x1024xi32>, vector<1x1024xi32>)  : i32 {
      %sub3A = arith.subi %scan3A_27, %scan3A_26 : vector<1x1024xi32>
      %shift_right_arithmetic3A = arith.constant 1 : i32
      %shift_right_arithmetic3A_28 = vector.broadcast %shift_right_arithmetic3A : i32 to vector<1x1024xi32>
      %shift_right_arithmetic3A_29 = arith.shrsi %sub3A, %shift_right_arithmetic3A_28 : vector<1x1024xi32>
      %add3A = arith.addi %scan3A_26, %shift_right_arithmetic3A_29 : vector<1x1024xi32>
      %get3A_30 = arith.constant 0 : index
      %get3A_31 = arith.constant 0 : index
      %get3A_32 = vector.load %arg3[%get3A_30, %get3A_31] : memref<384x1024xi32, #tpu.memory_space<vmem>>, vector<384x1024xi32>
      %ge3A_33 = vector.broadcast %add3A : vector<1x1024xi32> to vector<384x1024xi32>
      %ge3A_34 = arith.cmpi sge, %get3A_32, %ge3A_33 : vector<384x1024xi32>
      %convert_element_type3A = arith.extui %ge3A_34 : vector<384x1024xi1> to vector<384x1024xi32>
      %reduce_sum3A = arith.constant dense<0> : vector<1024xi32>
      %reduce_sum3A_35 = vector.multi_reduction <add>, %convert_element_type3A, %reduce_sum3A [0] : vector<384x1024xi32> to vector<1024xi32>
      %broadcast_in_dim3A_36 = vector.shape_cast %reduce_sum3A_35 : vector<1024xi32> to vector<1x1024xi32>
      %ge3A_37 = arith.constant 96 : i32
      %ge3A_38 = vector.broadcast %ge3A_37 : i32 to vector<1x1024xi32>
      %ge3A_39 = arith.cmpi sge, %broadcast_in_dim3A_36, %ge3A_38 : vector<1x1024xi32>
      %select_n3A_40 = arith.select %ge3A_39, %add3A, %scan3A_26 : vector<1x1024xi1>, vector<1x1024xi32>
      %select_n3A_41 = arith.select %ge3A_39, %scan3A_27, %add3A : vector<1x1024xi1>, vector<1x1024xi32>
      scf.yield %select_n3A_40, %select_n3A_41 : vector<1x1024xi32>, vector<1x1024xi32>
    }
    %get3A_13 = arith.constant 0 : index
    %get3A_14 = arith.constant 0 : index
    %get3A_15 = vector.load %arg3[%get3A_13, %get3A_14] : memref<384x1024xi32, #tpu.memory_space<vmem>>, vector<384x1024xi32>
    %ge3A = vector.broadcast %scan3A_12#0 : vector<1x1024xi32> to vector<384x1024xi32>
    %ge3A_16 = arith.cmpi sge, %get3A_15, %ge3A : vector<384x1024xi32>
    %broadcast_in_dim3A_17 = arith.constant 0.000000e+00 : f32
    %broadcast_in_dim3A_18 = vector.broadcast %broadcast_in_dim3A_17 : f32 to vector<384x1024xf32>
    %select_n3A = arith.select %ge3A_16, %get3A_3, %broadcast_in_dim3A_18 : vector<384x1024xi1>, vector<384x1024xf32>
    %swap3A_19 = arith.constant 0 : index
    %swap3A_20 = arith.constant 0 : index
    %swap3A_21 = arith.constant 0 : index
    %swap3A_22 = vector.load %arg2[%swap3A_19, %swap3A_20, %swap3A_21] : memref<1x384x1024xf32, #tpu.memory_space<vmem>>, vector<1x384x1024xf32>
    %swap3A_23 = vector.shape_cast %swap3A_22 : vector<1x384x1024xf32> to vector<384x1024xf32>
    %swap3A_24 = vector.shape_cast %select_n3A : vector<384x1024xf32> to vector<1x384x1024xf32>
    tpu.vector_store %arg2[%swap3A_19, %swap3A_20, %swap3A_21], %swap3A_24 {strides = array<i32>} : memref<1x384x1024xf32, #tpu.memory_space<vmem>>, vector<1x384x1024xf32>,
    return
  }
  func.func @transform_0(%arg0: i32) -> (i32, i32, i32) {
    %c0_i32 = arith.constant 0 : i32
    %c0_i32_0 = arith.constant 0 : i32
    %c0_i32_1 = arith.constant 0 : i32
    return %arg0, %c0_i32, %c0_i32_0 : i32, i32, i32
  }
  func.func @transform_1(%arg0: i32) -> (i32, i32, i32) {
    %c0_i32 = arith.constant 0 : i32
    %c0_i32_0 = arith.constant 0 : i32
    %c0_i32_1 = arith.constant 0 : i32
    return %arg0, %c0_i32, %c0_i32_0 : i32, i32, i32
  }
}

</mosaic_0001>

<sc_bundles>
// kernel: kernel.4.cloned.1.call-start
scs
__scs_entry_jumppad:
0x0: {  	(pc) =	sbr.rel $0x88, $3  }
0x1: {  	(tag) =	ssettag $0x0;
	lr =	simm.s32 $0x1  }
0x2: {  	[smem:$0x3F9F] =	sst lr;
	_ =	strace $0xD0000000  }
0x3: {  	_ = 	snop  }
0x4: {  	_ = 	snop  }
0x5: {  	_ = 	snop  }
0x6: {  	_ = 	snop  }
0x7: {  	_ = 	snop  }
__scs_overlays_trampoline_lowered:
0x8: {  	[smem:$0x3FAE] =	sst s0  }
0x9: {  	[smem:$0x3FAF] =	sst s1  }
0xa: {  	[smem:$0x3FB0] =	sst s2  }
0xb: {  	[smem:$0x3FB1] =	sst s3  }
0xc: {  	[smem:$0x3FB2] =	sst s4  }
0xd: {  	[smem:$0x3FB3] =	sst s5  }
0xe: {  	[smem:$0x3FB4] =	sst s6  }
0xf: {  	[smem:$0x3FB5] =	sst s7  }
0x10: {  	[smem:$0x3FB6] =	sst s8  }
0x11: {  	[smem:$0x3FB7] =	sst s9;
	s0 =	simm.s32 @!p0 $0x0  }
0x12: {  	s1 =	sld [smem:$0x3F9D];
	s0 =	simm.s32 @p0 $0x1  }
0x13: {  	[smem:$0x3FB8] =	sst s0;
	s0 =	simm.s32 @!p1 $0x0  }
0x14: {  	s2 =	sld [smem:$0x3F9C];
	s0 =	simm.s32 @p1 $0x1  }
0x15: {  	[smem:$0x3FB9] =	sst s0;
	s0 =	simm.s32 @!p2 $0x0  }
0x16: {  	s3 =	sld [smem:$0x3FDB];
	s0 =	simm.s32 @p2 $0x1  }
0x17: {  	s4 =	simm.s32 $0x1BF5;
	[smem:$0x3FBB] =	sst s0  }
0x18: {  	s0 =	sld [smem:$0x3F9E];
	_ =	swait.ge [sflag:s4], $0x0  }
0x19: {  	s7 =	sld [smem:$0x3F9F]  }
0x1a: {  	s8 =	sadd.s32 $0xFFFFE003, lr  }
0x1b: {  	s9 =	sadd.s32 $0xFFFFFEF7, lr;
	s5 =	simm.s32 $0xFFFFFFFF;
	p2 =	slt.u32 s8, $0xFFFFF086  }
0x1c: {  	p1 =	slt.u32 s9, $0xF7A;
	s5 =	simm.s32 @!p2 $0x0  }
0x1d: {  	s5 =	simm.s32 @p1 $0x1;
	p0 =	seq.s32 s7, s2  }
0x1e: {  	s7 =	smul.u32 @!p0 $0xF7A, s2;
	p2 =	seq.s32 @!p0 s5, $0x0  }
0x1f: {  	s9 =	smul.u32 $0xF7A, s1;
	s8 =	simm.s32 @!p0 $0x1BF5;
	p2 =	por !p2, p0  }
0x20: {  	[sflag:s8] =	ssyncset.s32 @!p0 $0xFFFFF086;
	s6 =	sadd.s32 @!p0 s3, s7;
	s7 =	simm.s32 @!p0 $0x108  }
0x21: {  	s3 =	sadd.s32 s3, s9;
	s6 =	sadd.s32 @!p0 $0x88, s6;
	s7 =	simm.s32 @p2 $0x1082  }
0x22: {  	[simem:s7], [sflag:s8] =	dma.local @!p0 [hbm:s6], $0xF7A  }
0x23: {  	s9 =	sor.u32 $0xD0000000, s2;
	s6 =	simm.s32 $0x108;
	_ =	swait.ge @!p0 [sflag:s8], $0x0  }
0x24: {  	s3 =	sadd.s32 $0x88, s3;
	s6 =	simm.s32 @!p1 $0x1082;
	[sflag:s4] =	ssyncset.s32 $0xFFFFF086  }
0x25: {  	[simem:s6], [sflag:s4] =	dma.local [hbm:s3], $0xF7A  }
0x26: {  	[smem:$0x3F9F] =	sst s1;
	(tag) =	ssettag s2;
	_ =	strace s9  }
0x27: {  	s1 =	sld [smem:$0x3FAF]  }
0x28: {  	s2 =	sld [smem:$0x3FB0]  }
0x29: {  	s4 =	sld [smem:$0x3FB2]  }
0x2a: {  	p0 =	seq.s32 s5, $0x0;
	s5 =	sld [smem:$0x3FB3]  }
0x2b: {  	s6 =	sld [smem:$0x3FB4]  }
0x2c: {  	s7 =	sld [smem:$0x3FB5]  }
0x2d: {  	s3 =	simm.s32 $0x108;
	s8 =	sld [smem:$0x3FB6]  }
0x2e: {  	s3 =	simm.s32 @!p0 $0x1082;
	s9 =	sld [smem:$0x3FB7]  }
0x2f: {  	lr =	sadd.s32 s0, s3;
	s0 =	sld [smem:$0x3FAE]  }
0x30: {  	s3 =	sld [smem:$0x3FB1]  }
0x31: {  	[smem:$0x3FBA] =	sst s10  }
0x32: {  	s10 =	sld [smem:$0x3FB8];
	_ =	sdelay $0x3  }
0x33: {  	p0 =	seq.s32 s10, $0x1;
	s10 =	sld [smem:$0x3FBA];
	_ =	sdelay $0x3  }
0x34: {  	[smem:$0x3FBA] =	sst s10  }
0x35: {  	s10 =	sld [smem:$0x3FB9];
	_ =	sdelay $0x3  }
0x36: {  	p1 =	seq.s32 s10, $0x1;
	s10 =	sld [smem:$0x3FBA];
	_ =	sdelay $0x3  }
0x37: {  	[smem:$0x3FBA] =	sst s10  }
0x38: {  	s10 =	sld [smem:$0x3FBB]  }
0x39: {  	_ = 	snop;
	(pc) =	sbr.ind lr, $3  }
0x3a: {  	_ = 	snop  }
0x3b: {  	_ = 	snop  }
0x3c: {  	p2 =	seq.s32 s10, $0x1;
	s10 =	sld [smem:$0x3FBA]  }
0x3d: {  	_ =	shalt  }
0x3e: {  	_ =	shalt  }
0x3f: {  	_ =	shalt  }
0x40: {  	_ =	shalt  }
0x41: {  	_ =	shalt  }
0x42: {  	_ =	shalt  }
0x43: {  	_ =	shalt  }
0x44: {  	_ =	shalt  }
0x45: {  	_ =	shalt  }
0x46: {  	_ =	shalt  }
0x47: {  	_ =	shalt  }
0x48: {  	_ =	shalt  }
0x49: {  	_ =	shalt  }
0x4a: {  	_ =	shalt  }
0x4b: {  	_ =	shalt  }
0x4c: {  	_ =	shalt  }
0x4d: {  	_ =	shalt  }
0x4e: {  	_ =	shalt  }
0x4f: {  	_ =	shalt  }
0x50: {  	_ =	shalt  }
0x51: {  	_ =	shalt  }
0x52: {  	_ =	shalt  }
0x53: {  	_ =	shalt  }
0x54: {  	_ =	shalt  }
0x55: {  	_ =	shalt  }
0x56: {  	_ =	shalt  }
0x57: {  	_ =	shalt  }
0x58: {  	_ =	shalt  }
0x59: {  	_ =	shalt  }
0x5a: {  	_ =	shalt  }
0x5b: {  	_ =	shalt  }
0x5c: {  	_ =	shalt  }
0x5d: {  	_ =	shalt  }
0x5e: {  	_ =	shalt  }
0x5f: {  	_ =	shalt  }
0x60: {  	_ =	shalt  }
0x61: {  	_ =	shalt  }
0x62: {  	_ =	shalt  }
0x63: {  	_ =	shalt  }
0x64: {  	_ =	shalt  }
0x65: {  	_ =	shalt  }
0x66: {  	_ =	shalt  }
0x67: {  	_ =	shalt  }
0x68: {  	_ =	shalt  }
0x69: {  	_ =	shalt  }
0x6a: {  	_ =	shalt  }
0x6b: {  	_ =	shalt  }
0x6c: {  	_ =	shalt  }
0x6d: {  	_ =	shalt  }
0x6e: {  	_ =	shalt  }
0x6f: {  	_ =	shalt  }
0x70: {  	_ =	shalt  }
0x71: {  	_ =	shalt  }
0x72: {  	_ =	shalt  }
0x73: {  	_ =	shalt  }
0x74: {  	_ =	shalt  }
0x75: {  	_ =	shalt  }
0x76: {  	_ =	shalt  }
0x77: {  	_ =	shalt  }
0x78: {  	_ =	shalt  }
0x79: {  	_ =	shalt  }
0x7a: {  	_ =	shalt  }
0x7b: {  	_ =	shalt  }
0x7c: {  	_ =	shalt  }
0x7d: {  	_ =	shalt  }
0x7e: {  	_ =	shalt  }
0x7f: {  	_ =	shalt  }
0x80: {  	_ =	shalt  }
0x81: {  	_ =	shalt  }
0x82: {  	_ =	shalt  }
0x83: {  	_ =	shalt  }
0x84: {  	_ =	shalt  }
0x85: {  	_ =	shalt  }
0x86: {  	_ =	shalt  }
0x87: {  	_ =	shalt  }
.Lfunc_end0:
.L_simem_size_0:
called_computation_lowered:
.L_overlay_start_0:
0x88: {  	s2 =	sld [smem:$0x3FD9]  }
0x89: {  	s3 =	sld [smem:$0x3FFE];
	_ =	sdelay $0x1  }
0x8a: {  	s1 =	srdreg.scid  }
0x8b: {  	s0 =	sand.u32 $0x1, s1  }
0x8c: {  	s17 =	sshll.u32 s0, $0xA;
	s2 =	sadd.s32 s3, s2  }
0x8d: {  	s2 =	sadd.s32 s2, s17  }
0x8e: {  	[smem:$0x3FC6] =	sst s2  }
0x8f: {  	_ = 	snop  }
0x90: {  	s2 =	sld [smem:$0x3FD0];
	(tm) =	ssettm $0x1  }
0x91: {  	s18 =	sld [smem:$0x3FFB];
	_ =	sdelay $0x3  }
0x92: {  	_ =	strace s18  }
0x93: {  	s3 =	sld [smem:$0x3FFC];
	_ =	sdelay $0x3  }
0x94: {  	_ =	strace s3  }
0x95: {  	s3 =	sld [smem:$0x3FFD];
	_ =	sdelay $0x3  }
0x96: {  	_ =	strace s3  }
0x97: {  	_ =	strace $0x8FFFFFFF  }
0x98: {  	s19 =	sld [smem:$0x3FDB];
	_ =	sdelay $0x1  }
0x99: {  	s4 =	simm.s32 $_scs_section_size  }
0x9a: {  	s5 =	simm.s32 $_size__tile_overlayer_lowered;
	s6 =	simm.s32 $_tile_overlayer_lowered  }
0x9b: {  	s22 =	simm.s32 $0x1BFF;
	s21 =	sshll.u32 s6, $0x1;
	s3 =	sadd.s32 s4, s19  }
0x9c: {  	s7 =	simm.s32 $0x0;
	s20 =	sshll.u32 s5, $0x1;
	s5 =	sadd.s32 s21, s3  }
0x9d: {  	[timem:s7], [sflag:s22] =	dma.local [hbm:s5], s20  }
0x9e: {  	_ =	swait.ge [sflag:s22], s20  }
0x9f: {  	s4 =	ssub.s32 $0x0, s20;
	[sflag:s22] =	ssyncset.done $0x0  }
0xa0: {  	[sflag:s22] =	ssyncadd.s32 s4;
	_ =	sdelay $0x1  }
0xa1: {  	s23 =	simm.s32 $0x1B8B  }
0xa2: {  	_ =	swait.ge [sflag:s23], $0x1  }
0xa3: {  	[sflag:s23] =	ssyncset.done $0x0  }
0xa4: {  	s25 =	simm.s32 $0x1B8E;
	s24 =	sld [smem:$0x3FFE];
	[sflag:s23] =	ssyncadd.s32 $0xFFFFFFFF  }
0xa5: {  	s26 =	simm.s32 $execute0_lowered;
	[smem:$0x3FD2] =	sst s25  }
0xa6: {  	s5 =	sshll.u32 s26, $0x1;
	_ =	strace $0x80000046;
	[dreg:$0x1] =	wrdreg $0xFFFFFFFF  }
0xa7: {  	s28 =	simm.s32 $_size_execute0_lowered;
	s3 =	sadd.s32 s3, s5;
	[dreg:$0x0] =	wrdreg $0x0  }
0xa8: {  	s5 =	sshll.u32 s28, $0x1;
	[dreg:$0x2] =	wrdreg s3  }
0xa9: {  	[dreg:$0x3] =	wrdreg s5  }
0xaa: {  	[dreg:$0x4] =	wrdreg $0xC0  }
0xab: {  	_ =	task [dreg:s7], $0x5FFFF  }
0xac: {  	[dreg:$0x1] =	wrdreg $0xFFFFFFFF  }
0xad: {  	[dreg:$0x0] =	wrdreg $0x60  }
0xae: {  	[dreg:$0x2] =	wrdreg s2  }
0xaf: {  	[dreg:$0x3] =	wrdreg s24  }
0xb0: {  	[dreg:$0x4] =	wrdreg $0x9  }
0xb1: {  	_ =	task.clear_ibuf [dreg:s7], $0x5FFFF;
	_ =	strace $0x90000046  }
0xb2: {  	s29 =	simm.s32 $0x9;
	_ =	strace $0x80000048  }
0xb3: {  	_ =	swait.ge [sflag:s29], $0x1  }
0xb4: {  	[sflag:s29] =	ssyncadd.s32 $0xFFFFFFFF  }
0xb5: {  	_ =	strace $0x90000048  }
0xb6: {  	_ =	sfence  }
0xb7: {  	s30 =	sld [smem:$0x0];
	_ =	sdelay $0x2  }
0xb8: {  	s31 =	sshll.u32 s1, $0xD;
	s1 =	sshrl.u32 s1, $0x2  }
0xb9: {  	s3 =	sand.u32 $0x4000, s31;
	s1 =	sadd.s32 s1, s30  }
0xba: {  	s0 =	sor.u32 s3, s0;
	s1 =	sshll.u32 s1, $0x11  }
0xbb: {  	s0 =	sor.u32 s1, s0  }
0xbc: {  	s0 =	sadd.s32 $0x8F2B, s0  }
0xbd: {  	[sflag:s0] =	ssyncadd.remote.s32 $0x1  }
0xbe: {  	_ =	sfence.sel $0xFFFF  }
0xbf: {  	[dreg:$0x0] =	wrdreg $0xFFFFFFFF;
	(pc) =	sbr.abs _section_cstart, $3  }
0xc0: {  	[dreg:$0x1] =	wrdreg $0xFFFFFFFF  }
0xc1: {  	_ =	task.clear_ibuf [dreg:s7], $0x2FFFF;
	_ =	strace $0x9FFFFFFF  }
0xc2: {  	(tm) =	ssettm $0x7FFFFFFF  }
0xc3: {  	_ =	shalt  }
tec
execute0_lowered:
.L_overlay_start_1:
0x0: {  	(tag) =	ssettag $0x1  }
0x1: {  	s3 =	rddreg [dreg:$0x0]  }
0x2: {  	s4 =	rddreg [dreg:$0x1];
	s1 =	srdreg.scid  }
0x3: {  	s0 =	stileid.u32;
	s9 =	simm.s32 $0xC000;
	s10 =	simm.s32 $0xC800  }
0x4: {  	s11 =	simm.s32 $0xE000;
	s12 =	simm.s32 $0x0;
	s5 =	sand.u32 $0x1, s1  }
0x5: {  	s29 =	sshrl.u32 s0, $0x2;
	s2 =	sshll.u32 s0, $0xB;
	s1 =	rddreg [dreg:$0x2]  }
0x6: {  	s6 =	sshll.u32 s5, $0xA;
	s7 =	sand.u32 $0x1800, s2;
	s8 =	smul.u32 $0x60000, s29  }
0x7: {  	s2 =	simm.s32 $0x0;
	s5 =	ssub.s32 $0x2, s5;
	s6 =	sor.u32 s6, s7  }
0x8: {  	[smem:$0x7FF] =	sst s2;
	s31 =	sshrl.u32 s5, $0x1;
	s6 =	sor.u32 s8, s6  }
0x9: {  	_ =	strace $0x80000047;
	s5 =	ssub.s32 s5, s31;
	s8 =	simm.s32 $0x1  }
0xa: {  	s30 =	sadd.s32 $0x480000, s6;
	s6 =	sshrl.u32 s6, $0x3;
	s5 =	smax.u32 s5, $0x1  }
0xb: {  	v0 =	vlaneseq.u32;
	s7 =	sshrl.u32 s30, $0x3;
	s4 =	sadd.s32 s6, s4;
	s6 =	simm.s32 $0x400  }
0xc: {  	v1 =	vimm.s32 $0x0;
	v3 =	vimm.s32 $0x1;
	v2 =	vor.u32 $0xFFFFFBD0, v0;
	s3 =	sadd.s32 s3, s7;
	s4 =	sadd.s32 $0x1C00, s4;
	s7 =	simm.s32 $0x2000  }
.LBB2_1:
0xd: {  	[tilespmem:s2], [sflag:$0x1] =	stream.strided.gather [hbm4b:s3+s6], $0xC000, s7, s6, $0x38;
	[tilespmem:$0xF800] =	vst v63  }
0xe: {  	_ =	swait.ge [sflag:s8], $0xC000  }
0xf: {  	[sflag:s8] =	ssyncset.done $0x0  }
0x10: {  	s13 =	simm.s32 $0x200;
	s14 =	simm.s32 $0x0;
	[sflag:s8] =	ssyncadd.s32 $0xFFFF4000  }
.LBB2_2:
0x11: {  	[tilespmem:$0xC000] =	vst v1  }
0x12: {  	[tilespmem:$0xC010] =	vst v1  }
0x13: {  	[tilespmem:$0xC020] =	vst v1  }
0x14: {  	[tilespmem:$0xC030] =	vst v1  }
0x15: {  	[tilespmem:$0xC040] =	vst v1  }
0x16: {  	[tilespmem:$0xC050] =	vst v1  }
0x17: {  	[tilespmem:$0xC060] =	vst v1  }
0x18: {  	[tilespmem:$0xC070] =	vst v1  }
0x19: {  	[tilespmem:$0xC080] =	vst v1  }
0x1a: {  	[tilespmem:$0xC090] =	vst v1  }
0x1b: {  	[tilespmem:$0xC0A0] =	vst v1  }
0x1c: {  	[tilespmem:$0xC0B0] =	vst v1  }
0x1d: {  	[tilespmem:$0xC0C0] =	vst v1  }
0x1e: {  	[tilespmem:$0xC0D0] =	vst v1  }
0x1f: {  	[tilespmem:$0xC0E0] =	vst v1  }
0x20: {  	[tilespmem:$0xC0F0] =	vst v1  }
0x21: {  	[tilespmem:$0xC100] =	vst v1  }
0x22: {  	[tilespmem:$0xC110] =	vst v1  }
0x23: {  	[tilespmem:$0xC120] =	vst v1  }
0x24: {  	[tilespmem:$0xC130] =	vst v1  }
0x25: {  	[tilespmem:$0xC140] =	vst v1  }
0x26: {  	[tilespmem:$0xC150] =	vst v1  }
0x27: {  	[tilespmem:$0xC160] =	vst v1  }
0x28: {  	[tilespmem:$0xC170] =	vst v1  }
0x29: {  	[tilespmem:$0xC180] =	vst v1  }
0x2a: {  	[tilespmem:$0xC190] =	vst v1  }
0x2b: {  	[tilespmem:$0xC1A0] =	vst v1  }
0x2c: {  	[tilespmem:$0xC1B0] =	vst v1  }
0x2d: {  	[tilespmem:$0xC1C0] =	vst v1  }
0x2e: {  	[tilespmem:$0xC1D0] =	vst v1  }
0x2f: {  	[tilespmem:$0xC1E0] =	vst v1  }
0x30: {  	[tilespmem:$0xC1F0] =	vst v1  }
0x31: {  	[tilespmem:$0xC200] =	vst v1  }
0x32: {  	[tilespmem:$0xC210] =	vst v1  }
0x33: {  	[tilespmem:$0xC220] =	vst v1  }
0x34: {  	[tilespmem:$0xC230] =	vst v1  }
0x35: {  	[tilespmem:$0xC240] =	vst v1  }
0x36: {  	[tilespmem:$0xC250] =	vst v1  }
0x37: {  	[tilespmem:$0xC260] =	vst v1  }
0x38: {  	[tilespmem:$0xC270] =	vst v1  }
0x39: {  	[tilespmem:$0xC280] =	vst v1  }
0x3a: {  	[tilespmem:$0xC290] =	vst v1  }
0x3b: {  	[tilespmem:$0xC2A0] =	vst v1  }
0x3c: {  	[tilespmem:$0xC2B0] =	vst v1  }
0x3d: {  	[tilespmem:$0xC2C0] =	vst v1  }
0x3e: {  	[tilespmem:$0xC2D0] =	vst v1  }
0x3f: {  	[tilespmem:$0xC2E0] =	vst v1  }
0x40: {  	[tilespmem:$0xC2F0] =	vst v1  }
0x41: {  	[tilespmem:$0xC300] =	vst v1  }
0x42: {  	[tilespmem:$0xC310] =	vst v1  }
0x43: {  	[tilespmem:$0xC320] =	vst v1  }
0x44: {  	[tilespmem:$0xC330] =	vst v1  }
0x45: {  	[tilespmem:$0xC340] =	vst v1  }
0x46: {  	[tilespmem:$0xC350] =	vst v1  }
0x47: {  	[tilespmem:$0xC360] =	vst v1  }
0x48: {  	[tilespmem:$0xC370] =	vst v1  }
0x49: {  	[tilespmem:$0xC380] =	vst v1  }
0x4a: {  	[tilespmem:$0xC390] =	vst v1  }
0x4b: {  	[tilespmem:$0xC3A0] =	vst v1  }
0x4c: {  	[tilespmem:$0xC3B0] =	vst v1  }
0x4d: {  	[tilespmem:$0xC3C0] =	vst v1;
	v4 =	vmov s13  }
0x4e: {  	[tilespmem:$0xC3D0] =	vst v1  }
0x4f: {  	[tilespmem:$0xC3E0] =	vst v1  }
0x50: {  	[tilespmem:$0xC3F0] =	vst v1;
	s15 =	simm.s32 $0x0  }
.LBB2_3:
0x51: {  	s16 =	sshra.s32 s15, $0x2  }
0x52: {  	v5 =	vld.idx.msk [tilespmem:v4+s16+$0xFFFFFE00 ss:$0x1], $0xffff;
	_ =	sdelay $0x4  }
0x53: {  	v5 =	vshrl.u32 v5, $0x17  }
0x54: {  	v5 =	vand.u32 $0xFF, v5  }
0x55: {  	v5 =	vmax.u32 v5, $0x43  }
0x56: {  	v5 =	vmin.u32 v5, $0x82  }
0x57: {  	v5 =	vshll.u32 v5, $0x4  }
0x58: {  	v5 =	vadd.s32 v2, v5;
	_ =	sdelay $0x4  }
0x59: {  	[tilespmem:v5+s9+$0x0] =	vst.idx.add.s32.msk $0xffff, v3  }
0x5a: {  	v5 =	vld.idx.msk [tilespmem:v4+s16+$0xFFFFFE80 ss:$0x1], $0xffff;
	_ =	sdelay $0x4  }
0x5b: {  	v5 =	vshrl.u32 v5, $0x17  }
0x5c: {  	v5 =	vand.u32 $0xFF, v5  }
0x5d: {  	v5 =	vmax.u32 v5, $0x43  }
0x5e: {  	v5 =	vmin.u32 v5, $0x82  }
0x5f: {  	v5 =	vshll.u32 v5, $0x4  }
0x60: {  	v5 =	vadd.s32 v2, v5;
	_ =	sdelay $0x4  }
0x61: {  	[tilespmem:v5+s9+$0x0] =	vst.idx.add.s32.msk $0xffff, v3  }
0x62: {  	v5 =	vld.idx.msk [tilespmem:v4+s16+$0xFFFFFF00 ss:$0x1], $0xffff;
	_ =	sdelay $0x4  }
0x63: {  	v5 =	vshrl.u32 v5, $0x17  }
0x64: {  	v5 =	vand.u32 $0xFF, v5  }
0x65: {  	v5 =	vmax.u32 v5, $0x43  }
0x66: {  	v5 =	vmin.u32 v5, $0x82  }
0x67: {  	v5 =	vshll.u32 v5, $0x4  }
0x68: {  	v5 =	vadd.s32 v2, v5;
	_ =	sdelay $0x4  }
0x69: {  	[tilespmem:v5+s9+$0x0] =	vst.idx.add.s32.msk $0xffff, v3  }
0x6a: {  	v5 =	vld.idx.msk [tilespmem:v4+s16+$0xFFFFFF80 ss:$0x1], $0xffff;
	_ =	sdelay $0x4  }
0x6b: {  	v5 =	vshrl.u32 v5, $0x17  }
0x6c: {  	v5 =	vand.u32 $0xFF, v5  }
0x6d: {  	v5 =	vmax.u32 v5, $0x43  }
0x6e: {  	v5 =	vmin.u32 v5, $0x82  }
0x6f: {  	v5 =	vshll.u32 v5, $0x4  }
0x70: {  	v5 =	vadd.s32 v2, v5;
	_ =	sdelay $0x4  }
0x71: {  	[tilespmem:v5+s9+$0x0] =	vst.idx.add.s32.msk $0xffff, v3  }
0x72: {  	v5 =	vld.idx.msk [tilespmem:v4+s16+$0x0 ss:$0x1], $0xffff;
	_ =	sdelay $0x4  }
0x73: {  	v5 =	vshrl.u32 v5, $0x17  }
0x74: {  	v5 =	vand.u32 $0xFF, v5  }
0x75: {  	v5 =	vmax.u32 v5, $0x43  }
0x76: {  	v5 =	vmin.u32 v5, $0x82  }
0x77: {  	v5 =	vshll.u32 v5, $0x4  }
0x78: {  	v5 =	vadd.s32 v2, v5;
	_ =	sdelay $0x4  }
0x79: {  	[tilespmem:v5+s9+$0x0] =	vst.idx.add.s32.msk $0xffff, v3  }
0x7a: {  	v5 =	vld.idx.msk [tilespmem:v4+s16+$0x80 ss:$0x1], $0xffff;
	_ =	sdelay $0x4  }
0x7b: {  	v5 =	vshrl.u32 v5, $0x17  }
0x7c: {  	v5 =	vand.u32 $0xFF, v5  }
0x7d: {  	v5 =	vmax.u32 v5, $0x43  }
0x7e: {  	v5 =	vmin.u32 v5, $0x82  }
0x7f: {  	v5 =	vshll.u32 v5, $0x4  }
0x80: {  	v5 =	vadd.s32 v2, v5;
	_ =	sdelay $0x4  }
0x81: {  	[tilespmem:v5+s9+$0x0] =	vst.idx.add.s32.msk $0xffff, v3  }
0x82: {  	v5 =	vld.idx.msk [tilespmem:v4+s16+$0x100 ss:$0x1], $0xffff;
	_ =	sdelay $0x4  }
0x83: {  	v5 =	vshrl.u32 v5, $0x17  }
0x84: {  	v5 =	vand.u32 $0xFF, v5  }
0x85: {  	v5 =	vmax.u32 v5, $0x43  }
0x86: {  	v5 =	vmin.u32 v5, $0x82  }
0x87: {  	v5 =	vshll.u32 v5, $0x4  }
0x88: {  	v5 =	vadd.s32 v2, v5;
	_ =	sdelay $0x4  }
0x89: {  	[tilespmem:v5+s9+$0x0] =	vst.idx.add.s32.msk $0xffff, v3  }
0x8a: {  	v5 =	vld.idx.msk [tilespmem:v4+s16+$0x180 ss:$0x1], $0xffff;
	_ =	sdelay $0x4  }
0x8b: {  	v5 =	vshrl.u32 v5, $0x17  }
0x8c: {  	v5 =	vand.u32 $0xFF, v5  }
0x8d: {  	v5 =	vmax.u32 v5, $0x43  }
0x8e: {  	v5 =	vmin.u32 v5, $0x82  }
0x8f: {  	v5 =	vshll.u32 v5, $0x4  }
0x90: {  	p0 =	sne.s32 s15, $0x2F000;
	v5 =	vadd.s32 v2, v5  }
.Ltmp0:
0x91: {  	_ = 	snop;
	(pc) =	sbr.rel @p0 .LBB2_3-.Ltmp0, $2  }
0x92: {  	_ =	sdelay $0x2  }
0x93: {  	s15 =	sadd.s32 $0x1000, s15;
	[tilespmem:v5+s9+$0x0] =	vst.idx.add.s32.msk $0xffff, v3  }
0x94: {  	s15 =	simm.s32 $0xC3F0  }
0x95: {  	v5 =	vld [tilespmem:s15+$0x0];
	_ =	sdelay $0x3  }
0x96: {  	v6 =	vimm.s32 $0x0;
	v7 =	vld [tilespmem:s15+$0xFFFFFFF0]  }
0x97: {  	v5 =	vadd.s32 v6, v5  }
0x98: {  	vm1 =	veq.s32 v6, $0x0;
	vm0 =	vgt.s32 v5, $0x5F  }
0x99: {  	vm0 =	vmand vm1, vm0  }
0x9a: {  	v9 =	vld [tilespmem:s15+$0xFFFFFFE0];
	v8 =	vsel vm0, $0x1, v1  }
0x9b: {  	v12 =	vadd.s32 v7, v5;
	v7 =	vor.u32 v8, v6  }
0x9c: {  	vm12 =	vgt.s32 v12, $0x5F;
	vm2 =	veq.s32 v7, $0x0  }
0x9d: {  	vm1 =	vmand vm12, vm2  }
0x9e: {  	v11 =	vld [tilespmem:s15+$0xFFFFFFD0];
	v8 =	vsel vm1, $0x1, v1  }
0x9f: {  	v7 =	vor.u32 v8, v7;
	v8 =	vadd.s32 v9, v12  }
0xa0: {  	vm13 =	vgt.s32 v8, $0x5F;
	vm3 =	veq.s32 v7, $0x0  }
0xa1: {  	s29 =	simm.s32 $0x3F;
	v9 =	vsel vm0, v6, v6;
	vm2 =	vmand vm13, vm3  }
0xa2: {  	s30 =	simm.s32 $0x3E;
	s16 =	simm.s32 $0xC3B0;
	v13 =	vsel vm0, s29, v6;
	v5 =	vsel vm1, v5, v9;
	v9 =	vsel vm2, $0x1, v1  }
0xa3: {  	s31 =	simm.s32 $0x3D;
	v10 =	vor.u32 v9, v7;
	v7 =	vadd.s32 v11, v8;
	v9 =	vsel vm1, s30, v13;
	v11 =	vld [tilespmem:s16+$0x0]  }
0xa4: {  	v12 =	vsel vm2, v12, v5;
	v5 =	vsel vm2, s31, v9;
	v9 =	vld [tilespmem:s16+$0xFFFFFFF0]  }
0xa5: {  	vm14 =	vgt.s32 v7, $0x5F;
	vm15 =	veq.s32 v10, $0x0  }
0xa6: {  	s18 =	simm.s32 $0x3C;
	vm0 =	vmand vm14, vm15  }
0xa7: {  	s17 =	simm.s32 $0x34;
	s15 =	simm.s32 $0x38;
	v5 =	vsel vm0, s18, v5;
	v8 =	vsel vm0, v8, v12;
	v12 =	vsel vm0, $0x1, v1  }
.LBB2_5:
0xa8: {  	p0 =	sne.s32 s17, $0x0;
	v11 =	vadd.s32 v7, v11;
	v10 =	vor.u32 v12, v10;
	s18 =	smov.u32 s17;
	s17 =	sadd.s32 $0xFFFFFFFC, s17  }
0xa9: {  	vm0 =	vgt.s32 v11, $0x5F;
	vm1 =	veq.s32 v10, $0x0;
	v9 =	vadd.s32 v9, v11  }
0xaa: {  	vm0 =	vmand vm1, vm0  }
0xab: {  	v12 =	vsel vm0, $0x1, v1;
	v13 =	vld [tilespmem:s16+$0xFFFFFFE0]  }
0xac: {  	v10 =	vor.u32 v12, v10  }
0xad: {  	vm1 =	vgt.s32 v9, $0x5F;
	vm2 =	veq.s32 v10, $0x0  }
0xae: {  	v7 =	vsel vm0, v7, v8;
	vm1 =	vmand vm1, vm2  }
0xaf: {  	v7 =	vsel vm1, v11, v7;
	v8 =	vsel vm1, $0x1, v1;
	v12 =	vld [tilespmem:s16+$0xFFFFFFD0]  }
0xb0: {  	v8 =	vor.u32 v8, v10;
	v13 =	vadd.s32 v13, v9  }
0xb1: {  	vm2 =	vgt.s32 v13, $0x5F;
	vm3 =	veq.s32 v8, $0x0  }
0xb2: {  	s16 =	sadd.s32 $0xFFFFFFC0, s16;
	vm2 =	vmand vm2, vm3  }
.Ltmp1:
0xb3: {  	s19 =	sadd.s32 $0x3, s15;
	v11 =	vld [tilespmem:s16+$0x0];
	v14 =	vsel vm2, v9, v7;
	v7 =	vsel vm2, $0x1, v1;
	(pc) =	sbr.rel @p0 .LBB2_5-.Ltmp1, $4  }
0xb4: {  	v5 =	vsel vm0, s19, v5;
	s19 =	sadd.s32 $0x2, s15;
	v9 =	vld [tilespmem:s16+$0xFFFFFFF0];
	v10 =	vor.u32 v7, v8;
	v7 =	vadd.s32 v12, v13  }
0xb5: {  	v5 =	vsel vm1, s19, v5;
	s19 =	sadd.s32 $0x1, s15;
	vm0 =	vgt.s32 v7, $0x5F;
	vm1 =	veq.s32 v10, $0x0  }
0xb6: {  	v5 =	vsel vm2, s19, v5;
	vm0 =	vmand vm0, vm1  }
0xb7: {  	v5 =	vsel vm0, s15, v5;
	v8 =	vsel vm0, v13, v14;
	v12 =	vsel vm0, $0x1, v1;
	s15 =	smov.u32 s18  }
0xb8: {  	v11 =	vadd.s32 v7, v11;
	v10 =	vor.u32 v12, v10  }
0xb9: {  	vm0 =	vgt.s32 v11, $0x5F;
	vm1 =	veq.s32 v10, $0x0  }
0xba: {  	vm0 =	vmand vm1, vm0  }
0xbb: {  	v13 =	vld [tilespmem:s16+$0xFFFFFFE0];
	v60 =	vsel vm0, $0x1, v1  }
0xbc: {  	v9 =	vadd.s32 v9, v11;
	v10 =	vor.u32 v60, v10  }
0xbd: {  	vm12 =	vgt.s32 v9, $0x5F;
	vm2 =	veq.s32 v10, $0x0  }
0xbe: {  	vm1 =	vmand vm12, vm2  }
0xbf: {  	v14 =	vld [tilespmem:s16+$0xFFFFFFD0];
	v61 =	vsel vm1, $0x1, v1  }
0xc0: {  	v62 =	vadd.s32 v13, v9;
	v10 =	vor.u32 v61, v10  }
0xc1: {  	vm13 =	vgt.s32 v62, $0x5F;
	vm3 =	veq.s32 v10, $0x0  }
0xc2: {  	s29 =	sadd.s32 $0x3, s15;
	vm2 =	vmand vm13, vm3  }
0xc3: {  	v7 =	vsel vm0, v7, v8;
	v5 =	vsel vm0, s29, v5;
	v8 =	vsel vm2, $0x1, v1  }
0xc4: {  	s30 =	sadd.s32 $0x2, s15;
	v63 =	vadd.s32 v14, v62;
	v7 =	vsel vm1, v11, v7;
	v8 =	vor.u32 v8, v10  }
0xc5: {  	s31 =	sadd.s32 $0x1, s15;
	v5 =	vsel vm1, s30, v5;
	vm14 =	vgt.s32 v63, $0x5F;
	vm15 =	veq.s32 v8, $0x0  }
0xc6: {  	v7 =	vsel vm2, v9, v7;
	v5 =	vsel vm2, s31, v5;
	vm0 =	vmand vm14, vm15  }
0xc7: {  	v5 =	vsel vm0, s15, v5;
	v7 =	vsel vm0, v62, v7;
	s15 =	simm.s32 $0x0  }
.LBB2_7:
0xc8: {  	s16 =	sshra.s32 s15, $0x2  }
0xc9: {  	v8 =	vld.idx.msk [tilespmem:v4+s16+$0xFFFFFE00 ss:$0x1], $0xffff;
	_ =	sdelay $0x4  }
0xca: {  	v9 =	vshrl.u32 v8, $0x17  }
0xcb: {  	v9 =	vand.u32 $0xFF, v9  }
0xcc: {  	v9 =	vmax.u32 v9, $0x43  }
0xcd: {  	v9 =	vmin.u32 v9, $0x82  }
0xce: {  	v9 =	vadd.s32 $0xFFFFFFBD, v9  }
0xcf: {  	v42 =	vshll.u32 v6, $0x4;
	vm0 =	veq.s32 v9, v5  }
0xd0: {  	v9 =	vor.u32 v0, v42;
	_ =	sdelay $0x3  }
0xd1: {  	v8 =	vand.u32 $0x7FFFFF, v8  }
0xd2: {  	[tilespmem:v9+s10+$0x0] =	vst.idx.msk vm0, v8  }
0xd3: {  	v8 =	vld.idx.msk [tilespmem:v4+s16+$0xFFFFFE80 ss:$0x1], $0xffff;
	_ =	sdelay $0x4  }
0xd4: {  	v43 =	vshrl.u32 v8, $0x17  }
0xd5: {  	v9 =	vand.u32 $0xFF, v43  }
0xd6: {  	v9 =	vmax.u32 v9, $0x43  }
0xd7: {  	v10 =	vsel vm0, $0x1, v1;
	v9 =	vmin.u32 v9, $0x82  }
0xd8: {  	v6 =	vadd.s32 v10, v6;
	v9 =	vadd.s32 $0xFFFFFFBD, v9  }
0xd9: {  	v44 =	vshll.u32 v6, $0x4;
	vm9 =	veq.s32 v9, v5  }
0xda: {  	v9 =	vor.u32 v0, v44;
	_ =	sdelay $0x3  }
0xdb: {  	v8 =	vand.u32 $0x7FFFFF, v8  }
0xdc: {  	[tilespmem:v9+s10+$0x0] =	vst.idx.msk vm9, v8  }
0xdd: {  	v8 =	vld.idx.msk [tilespmem:v4+s16+$0xFFFFFF00 ss:$0x1], $0xffff;
	_ =	sdelay $0x4  }
0xde: {  	v45 =	vshrl.u32 v8, $0x17  }
0xdf: {  	v9 =	vand.u32 $0xFF, v45  }
0xe0: {  	v9 =	vmax.u32 v9, $0x43  }
0xe1: {  	v46 =	vsel vm9, $0x1, v1;
	v9 =	vmin.u32 v9, $0x82  }
0xe2: {  	v6 =	vadd.s32 v46, v6;
	v9 =	vadd.s32 $0xFFFFFFBD, v9  }
0xe3: {  	v47 =	vshll.u32 v6, $0x4;
	vm10 =	veq.s32 v9, v5  }
0xe4: {  	v9 =	vor.u32 v0, v47;
	_ =	sdelay $0x3  }
0xe5: {  	v8 =	vand.u32 $0x7FFFFF, v8  }
0xe6: {  	[tilespmem:v9+s10+$0x0] =	vst.idx.msk vm10, v8  }
0xe7: {  	v8 =	vld.idx.msk [tilespmem:v4+s16+$0xFFFFFF80 ss:$0x1], $0xffff;
	_ =	sdelay $0x4  }
0xe8: {  	v48 =	vshrl.u32 v8, $0x17  }
0xe9: {  	v9 =	vand.u32 $0xFF, v48  }
0xea: {  	v9 =	vmax.u32 v9, $0x43  }
0xeb: {  	v49 =	vsel vm10, $0x1, v1;
	v9 =	vmin.u32 v9, $0x82  }
0xec: {  	v6 =	vadd.s32 v49, v6;
	v9 =	vadd.s32 $0xFFFFFFBD, v9  }
0xed: {  	v50 =	vshll.u32 v6, $0x4;
	vm11 =	veq.s32 v9, v5  }
0xee: {  	v9 =	vor.u32 v0, v50;
	_ =	sdelay $0x3  }
0xef: {  	v8 =	vand.u32 $0x7FFFFF, v8  }
0xf0: {  	[tilespmem:v9+s10+$0x0] =	vst.idx.msk vm11, v8  }
0xf1: {  	v8 =	vld.idx.msk [tilespmem:v4+s16+$0x0 ss:$0x1], $0xffff;
	_ =	sdelay $0x4  }
0xf2: {  	v51 =	vshrl.u32 v8, $0x17  }
0xf3: {  	v9 =	vand.u32 $0xFF, v51  }
0xf4: {  	v9 =	vmax.u32 v9, $0x43  }
0xf5: {  	v52 =	vsel vm11, $0x1, v1;
	v9 =	vmin.u32 v9, $0x82  }
0xf6: {  	v6 =	vadd.s32 v52, v6;
	v9 =	vadd.s32 $0xFFFFFFBD, v9  }
0xf7: {  	v53 =	vshll.u32 v6, $0x4;
	vm12 =	veq.s32 v9, v5  }
0xf8: {  	v9 =	vor.u32 v0, v53;
	_ =	sdelay $0x3  }
0xf9: {  	v8 =	vand.u32 $0x7FFFFF, v8  }
0xfa: {  	[tilespmem:v9+s10+$0x0] =	vst.idx.msk vm12, v8  }
0xfb: {  	v8 =	vld.idx.msk [tilespmem:v4+s16+$0x80 ss:$0x1], $0xffff;
	_ =	sdelay $0x4  }
0xfc: {  	v54 =	vshrl.u32 v8, $0x17  }
0xfd: {  	v9 =	vand.u32 $0xFF, v54  }
0xfe: {  	v9 =	vmax.u32 v9, $0x43  }
0xff: {  	v55 =	vsel vm12, $0x1, v1;
	v9 =	vmin.u32 v9, $0x82  }
0x100: {  	v6 =	vadd.s32 v55, v6;
	v9 =	vadd.s32 $0xFFFFFFBD, v9  }
0x101: {  	v56 =	vshll.u32 v6, $0x4;
	vm13 =	veq.s32 v9, v5  }
0x102: {  	v9 =	vor.u32 v0, v56;
	_ =	sdelay $0x3  }
0x103: {  	v8 =	vand.u32 $0x7FFFFF, v8  }
0x104: {  	[tilespmem:v9+s10+$0x0] =	vst.idx.msk vm13, v8  }
0x105: {  	v8 =	vld.idx.msk [tilespmem:v4+s16+$0x100 ss:$0x1], $0xffff;
	_ =	sdelay $0x4  }
0x106: {  	v57 =	vshrl.u32 v8, $0x17  }
0x107: {  	v9 =	vand.u32 $0xFF, v57  }
0x108: {  	v9 =	vmax.u32 v9, $0x43  }
0x109: {  	v58 =	vsel vm13, $0x1, v1;
	v9 =	vmin.u32 v9, $0x82  }
0x10a: {  	v6 =	vadd.s32 v58, v6;
	v9 =	vadd.s32 $0xFFFFFFBD, v9  }
0x10b: {  	v59 =	vshll.u32 v6, $0x4;
	vm14 =	veq.s32 v9, v5  }
0x10c: {  	v9 =	vor.u32 v0, v59;
	_ =	sdelay $0x3  }
0x10d: {  	v8 =	vand.u32 $0x7FFFFF, v8  }
0x10e: {  	[tilespmem:v9+s10+$0x0] =	vst.idx.msk vm14, v8  }
0x10f: {  	v8 =	vld.idx.msk [tilespmem:v4+s16+$0x180 ss:$0x1], $0xffff;
	_ =	sdelay $0x4  }
0x110: {  	v60 =	vshrl.u32 v8, $0x17  }
0x111: {  	v9 =	vand.u32 $0xFF, v60  }
0x112: {  	v9 =	vmax.u32 v9, $0x43  }
0x113: {  	v61 =	vsel vm14, $0x1, v1;
	v9 =	vmin.u32 v9, $0x82  }
0x114: {  	v6 =	vadd.s32 v61, v6;
	v9 =	vadd.s32 $0xFFFFFFBD, v9  }
0x115: {  	v62 =	vshll.u32 v6, $0x4;
	vm15 =	veq.s32 v9, v5  }
0x116: {  	p0 =	sne.s32 s15, $0x2F000;
	v9 =	vor.u32 v0, v62  }
.Ltmp2:
0x117: {  	_ = 	snop;
	(pc) =	sbr.rel @p0 .LBB2_7-.Ltmp2, $3  }
0x118: {  	_ =	sdelay $0x1  }
0x119: {  	v8 =	vand.u32 $0x7FFFFF, v8;
	v63 =	vsel vm15, $0x1, v1  }
0x11a: {  	s15 =	sadd.s32 $0x1000, s15;
	v6 =	vadd.s32 v63, v6;
	[tilespmem:v9+s10+$0x0] =	vst.idx.msk vm15, v8  }
0x11b: {  	v8 =	vxor.u32 $0x80000000, v6  }
0x11c: {  	(xrf0) =	vmax.scan.msk.u32 $0xffff, v8;
	_ =	sdelay $0x5  }
0x11d: {  	v8, _, _ =	vpop (xrf0)  }
0x11e: {  	(v2sf) =	vpush v8, $0xF;
	_ =	sdelay $0x7  }
0x11f: {  	[tilespmem:$0xC000] =	vst v1  }
0x120: {  	[tilespmem:$0xC010] =	vst v1  }
0x121: {  	[tilespmem:$0xC020] =	vst v1  }
0x122: {  	[tilespmem:$0xC030] =	vst v1  }
0x123: {  	[tilespmem:$0xC040] =	vst v1  }
0x124: {  	[tilespmem:$0xC050] =	vst v1  }
0x125: {  	[tilespmem:$0xC060] =	vst v1  }
0x126: {  	[tilespmem:$0xC070] =	vst v1;
	s15 =	spop (v2sf)  }
0x127: {  	[tilespmem:$0xC080] =	vst v1;
	s15 =	sadd.s32 $0x80000003, s15  }
0x128: {  	[tilespmem:$0xC090] =	vst v1;
	s15 =	sshra.s32 s15, $0x2  }
0x129: {  	[tilespmem:$0xC0A0] =	vst v1;
	p0 =	slt.s32 s15, $0x1  }
.Ltmp3:
0x12a: {  	[tilespmem:$0xC0B0] =	vst v1;
	(pc) =	sbr.rel @p0 .LBB2_11-.Ltmp3, $4  }
0x12b: {  	[tilespmem:$0xC0C0] =	vst v1  }
0x12c: {  	[tilespmem:$0xC0D0] =	vst v1  }
0x12d: {  	[tilespmem:$0xC0E0] =	vst v1  }
0x12e: {  	[tilespmem:$0xC0F0] =	vst v1  }
0x12f: {  	s16 =	simm.s32 $0x0;
	s17 =	simm.s32 $0xC820;
	s18 =	smov.u32 s15  }
.LBB2_10:
0x130: {  	v8 =	vld [tilespmem:s17+$0xFFFFFFE0];
	_ =	sdelay $0x4  }
0x131: {  	v9 =	vmov s16;
	v8 =	vshrl.u32 v8, $0xF  }
0x132: {  	vm0 =	vlt.s32 v9, v6;
	v8 =	vand.u32 $0xF0, v8  }
0x133: {  	v8 =	vor.u32 v0, v8;
	_ =	sdelay $0x4  }
0x134: {  	[tilespmem:v8+s9+$0x0] =	vst.idx.add.s32.msk vm0, v3  }
0x135: {  	v8 =	vld [tilespmem:s17+$0xFFFFFFF0];
	_ =	sdelay $0x3  }
0x136: {  	s19 =	sadd.s32 $0x1, s16  }
0x137: {  	v61 =	vmov s19;
	v8 =	vshrl.u32 v8, $0xF  }
0x138: {  	vm13 =	vlt.s32 v61, v6;
	v8 =	vand.u32 $0xF0, v8  }
0x139: {  	v8 =	vor.u32 v0, v8;
	_ =	sdelay $0x4  }
0x13a: {  	[tilespmem:v8+s9+$0x0] =	vst.idx.add.s32.msk vm13, v3  }
0x13b: {  	v8 =	vld [tilespmem:s17+$0x0];
	_ =	sdelay $0x3  }
0x13c: {  	s30 =	sadd.s32 $0x2, s16  }
0x13d: {  	v62 =	vmov s30;
	v8 =	vshrl.u32 v8, $0xF  }
0x13e: {  	vm14 =	vlt.s32 v62, v6;
	v8 =	vand.u32 $0xF0, v8  }
0x13f: {  	v8 =	vor.u32 v0, v8;
	_ =	sdelay $0x4  }
0x140: {  	[tilespmem:v8+s9+$0x0] =	vst.idx.add.s32.msk vm14, v3  }
0x141: {  	v8 =	vld [tilespmem:s17+$0x10];
	_ =	sdelay $0x3  }
0x142: {  	s31 =	sadd.s32 $0x3, s16  }
0x143: {  	v63 =	vmov s31;
	v8 =	vshrl.u32 v8, $0xF  }
0x144: {  	vm15 =	vlt.s32 v63, v6;
	v8 =	vand.u32 $0xF0, v8  }
0x145: {  	p1 =	sne.s32 s18, $0x1;
	v8 =	vor.u32 v0, v8  }
.Ltmp4:
0x146: {  	_ = 	snop;
	(pc) =	sbr.rel @p1 .LBB2_10-.Ltmp4, $2  }
0x147: {  	_ =	sdelay $0x2  }
0x148: {  	s16 =	sadd.s32 $0x4, s16;
	s18 =	sadd.s32 $0xFFFFFFFF, s18;
	s17 =	sadd.s32 $0x40, s17;
	[tilespmem:v8+s9+$0x0] =	vst.idx.add.s32.msk vm15, v3  }
.LBB2_11:
0x149: {  	s16 =	simm.s32 $0xC0F0  }
0x14a: {  	v8 =	vld [tilespmem:s16+$0x0];
	_ =	sdelay $0x3  }
0x14b: {  	v10 =	vimm.s32 $0x0;
	v11 =	vld [tilespmem:s16+$0xFFFFFFF0]  }
0x14c: {  	v9 =	vsub.s32 $0x60, v7;
	v7 =	vadd.s32 v10, v8  }
0x14d: {  	vm1 =	veq.s32 v10, $0x0;
	vm0 =	vge.s32 v7, v9  }
0x14e: {  	vm0 =	vmand vm1, vm0  }
0x14f: {  	v12 =	vld [tilespmem:s16+$0xFFFFFFE0];
	v8 =	vsel vm0, $0x1, v1  }
0x150: {  	v11 =	vadd.s32 v11, v7;
	v8 =	vor.u32 v8, v10  }
0x151: {  	vm12 =	vge.s32 v11, v9;
	vm2 =	veq.s32 v8, $0x0  }
0x152: {  	vm1 =	vmand vm12, vm2  }
0x153: {  	v14 =	vld [tilespmem:s16+$0xFFFFFFD0];
	v13 =	vsel vm1, $0x1, v1  }
0x154: {  	v15 =	vadd.s32 v12, v11;
	v8 =	vor.u32 v13, v8  }
0x155: {  	vm13 =	vge.s32 v15, v9;
	vm3 =	veq.s32 v8, $0x0  }
0x156: {  	s29 =	simm.s32 $0xF;
	s17 =	simm.s32 $0xC0B0;
	v12 =	vsel vm0, v10, v10;
	vm2 =	vmand vm13, vm3  }
0x157: {  	v10 =	vsel vm0, s29, v10;
	v7 =	vsel vm1, v7, v12;
	v13 =	vld [tilespmem:s17+$0x0];
	v12 =	vsel vm2, $0x1, v1  }
0x158: {  	s30 =	simm.s32 $0xE;
	v12 =	vor.u32 v12, v8;
	v8 =	vadd.s32 v14, v15;
	v14 =	vsel vm2, v11, v7;
	v11 =	vld [tilespmem:s17+$0xFFFFFFF0]  }
0x159: {  	s31 =	simm.s32 $0xD;
	v10 =	vsel vm1, s30, v10;
	vm14 =	vge.s32 v8, v9;
	vm15 =	veq.s32 v12, $0x0  }
0x15a: {  	s19 =	simm.s32 $0xC;
	v7 =	vsel vm2, s31, v10;
	vm0 =	vmand vm14, vm15  }
0x15b: {  	s18 =	simm.s32 $0x4;
	s16 =	simm.s32 $0x8;
	v7 =	vsel vm0, s19, v7;
	v10 =	vsel vm0, v15, v14;
	v14 =	vsel vm0, $0x1, v1  }
.LBB2_12:
0x15c: {  	p1 =	sne.s32 s18, $0x0;
	v13 =	vadd.s32 v8, v13;
	v12 =	vor.u32 v14, v12;
	s19 =	smov.u32 s18;
	s18 =	sadd.s32 $0xFFFFFFFC, s18  }
0x15d: {  	vm0 =	vge.s32 v13, v9;
	vm1 =	veq.s32 v12, $0x0;
	v11 =	vadd.s32 v11, v13  }
0x15e: {  	vm0 =	vmand vm1, vm0  }
0x15f: {  	v14 =	vsel vm0, $0x1, v1;
	v15 =	vld [tilespmem:s17+$0xFFFFFFE0]  }
0x160: {  	v12 =	vor.u32 v14, v12  }
0x161: {  	vm1 =	vge.s32 v11, v9;
	vm2 =	veq.s32 v12, $0x0  }
0x162: {  	v8 =	vsel vm0, v8, v10;
	vm1 =	vmand vm1, vm2  }
0x163: {  	v8 =	vsel vm1, v13, v8;
	v10 =	vsel vm1, $0x1, v1;
	v14 =	vld [tilespmem:s17+$0xFFFFFFD0]  }
0x164: {  	v10 =	vor.u32 v10, v12;
	v15 =	vadd.s32 v15, v11  }
0x165: {  	vm2 =	vge.s32 v15, v9;
	vm3 =	veq.s32 v10, $0x0  }
0x166: {  	s17 =	sadd.s32 $0xFFFFFFC0, s17;
	vm2 =	vmand vm2, vm3  }
.Ltmp5:
0x167: {  	s20 =	sadd.s32 $0x3, s16;
	v13 =	vld [tilespmem:s17+$0x0];
	v16 =	vsel vm2, v11, v8;
	v8 =	vsel vm2, $0x1, v1;
	(pc) =	sbr.rel @p1 .LBB2_12-.Ltmp5, $4  }
0x168: {  	v7 =	vsel vm0, s20, v7;
	s20 =	sadd.s32 $0x2, s16;
	v11 =	vld [tilespmem:s17+$0xFFFFFFF0];
	v12 =	vor.u32 v8, v10;
	v8 =	vadd.s32 v14, v15  }
0x169: {  	v7 =	vsel vm1, s20, v7;
	s20 =	sadd.s32 $0x1, s16;
	vm0 =	vge.s32 v8, v9;
	vm1 =	veq.s32 v12, $0x0  }
0x16a: {  	v7 =	vsel vm2, s20, v7;
	vm0 =	vmand vm0, vm1  }
0x16b: {  	v7 =	vsel vm0, s16, v7;
	v10 =	vsel vm0, v15, v16;
	v14 =	vsel vm0, $0x1, v1;
	s16 =	smov.u32 s19  }
0x16c: {  	v13 =	vadd.s32 v8, v13;
	v12 =	vor.u32 v14, v12  }
0x16d: {  	vm0 =	vge.s32 v13, v9;
	vm1 =	veq.s32 v12, $0x0  }
0x16e: {  	vm0 =	vmand vm1, vm0  }
0x16f: {  	v15 =	vld [tilespmem:s17+$0xFFFFFFE0];
	v60 =	vsel vm0, $0x1, v1  }
0x170: {  	v11 =	vadd.s32 v11, v13;
	v12 =	vor.u32 v60, v12  }
0x171: {  	vm12 =	vge.s32 v11, v9;
	vm2 =	veq.s32 v12, $0x0  }
0x172: {  	vm1 =	vmand vm12, vm2  }
0x173: {  	v16 =	vld [tilespmem:s17+$0xFFFFFFD0];
	v61 =	vsel vm1, $0x1, v1  }
0x174: {  	v62 =	vadd.s32 v15, v11;
	v12 =	vor.u32 v61, v12  }
0x175: {  	vm13 =	vge.s32 v62, v9;
	vm3 =	veq.s32 v12, $0x0  }
0x176: {  	vm2 =	vmand vm13, vm3  }
0x177: {  	s29 =	sadd.s32 $0x3, s16;
	v8 =	vsel vm0, v8, v10;
	v10 =	vsel vm2, $0x1, v1  }
.Ltmp6:
0x178: {  	s30 =	sadd.s32 $0x2, s16;
	v7 =	vsel vm0, s29, v7;
	v63 =	vadd.s32 v16, v62;
	v10 =	vor.u32 v10, v12;
	(pc) =	sbr.rel @p0 .LBB2_16-.Ltmp6, $4  }
0x179: {  	s31 =	sadd.s32 $0x1, s16;
	v7 =	vsel vm1, s30, v7;
	vm14 =	vge.s32 v63, v9;
	vm15 =	veq.s32 v10, $0x0  }
0x17a: {  	v8 =	vsel vm1, v13, v8;
	v7 =	vsel vm2, s31, v7;
	vm0 =	vmand vm14, vm15  }
0x17b: {  	v10 =	vsel vm2, v11, v8;
	v8 =	vsel vm0, s16, v7  }
0x17c: {  	v11 =	vsel vm0, v62, v10;
	v7 =	vimm.s32 $0x0;
	v10 =	vimm.s32 $0x0  }
0x17d: {  	s16 =	simm.s32 $0x0;
	s17 =	simm.s32 $0xC820;
	v10 =	vimm.s32 $0x0  }
.LBB2_15:
0x17e: {  	v12 =	vld [tilespmem:s17+$0xFFFFFFE0];
	_ =	sdelay $0x4  }
0x17f: {  	v13 =	vshrl.u32 v12, $0x13  }
0x180: {  	v14 =	vmov s16;
	v13 =	vand.u32 $0xF, v13  }
0x181: {  	vm0 =	vlt.s32 v14, v6;
	vm1 =	veq.s32 v13, v8  }
0x182: {  	v51 =	vshll.u32 v10, $0x4;
	vm0 =	vmand vm0, vm1  }
0x183: {  	v13 =	vor.u32 v0, v51;
	_ =	sdelay $0x3  }
0x184: {  	v12 =	vand.u32 $0x7FFFF, v12  }
0x185: {  	[tilespmem:v13+s11+$0x0] =	vst.idx.msk vm0, v12  }
0x186: {  	v12 =	vld [tilespmem:s17+$0xFFFFFFF0];
	_ =	sdelay $0x4  }
0x187: {  	s18 =	sadd.s32 $0x1, s16;
	v52 =	vshrl.u32 v12, $0x13  }
0x188: {  	v15 =	vmov s18;
	v53 =	vsel vm0, $0x1, v1;
	v13 =	vand.u32 $0xF, v52  }
0x189: {  	vm10 =	vlt.s32 v15, v6;
	v10 =	vadd.s32 v53, v10;
	vm11 =	veq.s32 v13, v8  }
0x18a: {  	v54 =	vshll.u32 v10, $0x4;
	vm0 =	vmand vm10, vm11  }
0x18b: {  	v13 =	vor.u32 v0, v54;
	_ =	sdelay $0x3  }
0x18c: {  	v12 =	vand.u32 $0x7FFFF, v12  }
0x18d: {  	[tilespmem:v13+s11+$0x0] =	vst.idx.msk vm0, v12  }
0x18e: {  	v12 =	vld [tilespmem:s17+$0x0];
	_ =	sdelay $0x4  }
0x18f: {  	s30 =	sadd.s32 $0x2, s16;
	v55 =	vshrl.u32 v12, $0x13  }
0x190: {  	v57 =	vmov s30;
	v56 =	vsel vm0, $0x1, v1;
	v13 =	vand.u32 $0xF, v55  }
0x191: {  	vm12 =	vlt.s32 v57, v6;
	v10 =	vadd.s32 v56, v10;
	vm13 =	veq.s32 v13, v8  }
0x192: {  	v58 =	vshll.u32 v10, $0x4;
	vm0 =	vmand vm12, vm13  }
0x193: {  	v13 =	vor.u32 v0, v58;
	_ =	sdelay $0x3  }
0x194: {  	v12 =	vand.u32 $0x7FFFF, v12  }
0x195: {  	[tilespmem:v13+s11+$0x0] =	vst.idx.msk vm0, v12  }
0x196: {  	v12 =	vld [tilespmem:s17+$0x10];
	_ =	sdelay $0x4  }
0x197: {  	s31 =	sadd.s32 $0x3, s16;
	v59 =	vshrl.u32 v12, $0x13  }
0x198: {  	v61 =	vmov s31;
	v60 =	vsel vm0, $0x1, v1;
	v13 =	vand.u32 $0xF, v59  }
0x199: {  	vm14 =	vlt.s32 v61, v6;
	v10 =	vadd.s32 v60, v10;
	vm15 =	veq.s32 v13, v8  }
0x19a: {  	v62 =	vshll.u32 v10, $0x4;
	vm0 =	vmand vm14, vm15  }
0x19b: {  	p0 =	sne.s32 s15, $0x1;
	v13 =	vor.u32 v0, v62  }
.Ltmp7:
0x19c: {  	_ = 	snop;
	(pc) =	sbr.rel @p0 .LBB2_15-.Ltmp7, $3  }
0x19d: {  	_ =	sdelay $0x1  }
0x19e: {  	v12 =	vand.u32 $0x7FFFF, v12;
	v63 =	vsel vm0, $0x1, v1  }
0x19f: {  	s16 =	sadd.s32 $0x4, s16;
	s15 =	sadd.s32 $0xFFFFFFFF, s15;
	s17 =	sadd.s32 $0x40, s17;
	v10 =	vadd.s32 v63, v10;
	[tilespmem:v13+s11+$0x0] =	vst.idx.msk vm0, v12  }
.LBB2_16:
0x1a0: {  	v6 =	vxor.u32 $0x80000000, v10  }
0x1a1: {  	(xrf0) =	vmax.scan.msk.u32 $0xffff, v6;
	_ =	sdelay $0x5  }
0x1a2: {  	v6, _, _ =	vpop (xrf0)  }
0x1a3: {  	(v2sf) =	vpush v6, $0xF;
	_ =	sdelay $0xd  }
.Ltmp8:
0x1a4: {  	_ = 	snop;
	(pc) =	sbr.rel .LBB2_17-.Ltmp8, $4  }
0x1a5: {  	s15 =	spop (v2sf)  }
0x1a6: {  	s15 =	sadd.s32 $0x80000003, s15  }
0x1a7: {  	s15 =	sshra.s32 s15, $0x2  }
0x1a8: {  	s16 =	simm.s32 $0x0;
	s17 =	simm.s32 $0x0;
	v6 =	vsub.s32 v9, v11;
	v9 =	vimm.s32 $0x80000;
	p0 =	slt.s32 s15, $0x1  }
.LBB2_19:
0x1a9: {  	s19 =	simm.s32 $0x0  }
.LBB2_23:
0x1aa: {  	s19 =	sadd.s32 @p1 $0x4, s19;
	s20 =	simm.s32 $0x0;
	v15 =	vadd.s32 @p1 v16, v15  }
0x1ab: {  	v62 =	vld [tilespmem:s18+$0xFFFFFFF0];
	v17 =	vsel @p1 vm2, $0x1, v1;
	vm0 =	vmand @p1 vm0, vm1;
	vm10 =	vge.s32 v14, v11;
	s20 =	smov.u32 @p1 s19  }
0x1ac: {  	v19 =	vld [tilespmem:s18+$0x0];
	vm5 =	vge.s32 v13, v11;
	v15 =	vadd.s32 @p1 v17, v15;
	v17 =	vsel @p1 vm0, $0x1, v1;
	s19 =	sadd.s32 $0x2, s20  }
0x1ad: {  	v18 =	vmov s20;
	s30 =	sadd.s32 $0x3, s20;
	s31 =	sadd.s32 $0x1, s20;
	v15 =	vadd.s32 @p1 v17, v15;
	v20 =	vmov s19  }
0x1ae: {  	v21 =	vmov s30;
	vm8 =	vlt.s32 v18, v10;
	v63 =	vmov s31  }
0x1af: {  	v12 =	vpsel p1, v15, v12;
	vm9 =	vlt.s32 v21, v10;
	vm3 =	vlt.s32 v63, v10  }
0x1b0: {  	vm4 =	vlt.s32 v20, v10;
	vm0 =	vmand vm8, vm10;
	vm11 =	vge.s32 v62, v11  }
0x1b1: {  	v13 =	vsel vm0, $0x1, v1;
	vm13 =	vge.s32 v19, v11;
	vm12 =	vmand vm3, vm11  }
0x1b2: {  	v12 =	vadd.s32 v13, v12;
	vm14 =	vmand vm4, vm13;
	v13 =	vsel vm12, $0x1, v1  }
0x1b3: {  	vm15 =	vmand vm9, vm5;
	v12 =	vadd.s32 v13, v12;
	v13 =	vsel vm14, $0x1, v1  }
0x1b4: {  	v12 =	vadd.s32 v13, v12;
	v13 =	vsel vm15, $0x1, v1  }
0x1b5: {  	v12 =	vadd.s32 v13, v12  }
.LBB2_24:
0x1b6: {  	s17 =	sadd.s32 $0x1, s17  }
0x1b7: {  	p1 =	sne.s32 s17, $0x13  }
.Ltmp9:
0x1b8: {  	_ = 	snop;
	(pc) =	sbr.rel @!p1 .LBB2_25-.Ltmp9, $3  }
0x1b9: {  	_ =	sdelay $0x1  }
0x1ba: {  	vm0 =	vlt.s32 v12, v6  }
0x1bb: {  	v7 =	vsel vm0, v7, v11;
	v9 =	vsel vm0, v11, v9  }
.LBB2_17:
.Ltmp10:
0x1bc: {  	(pc) =	sbr.rel @p0 .LBB2_24-.Ltmp10, $4  }
0x1bd: {  	_ = 	snop  }
0x1be: {  	v11 =	vsub.s32 v9, v7  }
0x1bf: {  	v11 =	vshra.s32 v11, $0x1  }
0x1c0: {  	v12 =	vimm.s32 $0x0;
	s18 =	simm.s32 $0xE020;
	v11 =	vadd.s32 v7, v11  }
0x1c1: {  	p2 =	sne.s32 s15, $0x1  }
.Ltmp11:
0x1c2: {  	_ = 	snop;
	(pc) =	sbr.rel @!p2 .LBB2_19-.Ltmp11, $3  }
0x1c3: {  	v14 =	vld [tilespmem:s18+$0xFFFFFFE0]  }
0x1c4: {  	v13 =	vld [tilespmem:s18+$0x10];
	_ =	sdelay $0x1  }
0x1c5: {  	s19 =	sadd.s32 $0xFFFFFFFF, s15;
	p1 =	por $0x0, $0x0  }
0x1c6: {  	v15 =	vld [tilespmem:s18+$0xFFFFFFF0]  }
0x1c7: {  	s20 =	sadd.s32 $0x2, s16;
	v16 =	vld [tilespmem:s18+$0x0];
	s21 =	sadd.s32 $0x3, s16  }
0x1c8: {  	v17 =	vmov s16;
	s22 =	sadd.s32 $0x1, s16;
	p2 =	sne.s32 s19, $0x1;
	v18 =	vmov s20;
	v19 =	vmov s21  }
.Ltmp12:
0x1c9: {  	s18 =	sadd.s32 $0x40, s18;
	vm1 =	vlt.s32 v17, v10;
	v17 =	vmov s22;
	vm2 =	vge.s32 v14, v11;
	(pc) =	sbr.rel @!p2 .LBB2_21-.Ltmp12, $4  }
0x1ca: {  	v14 =	vld [tilespmem:s18+$0xFFFFFFE0];
	vm0 =	vlt.s32 v19, v10;
	vm3 =	vlt.s32 v17, v10;
	vm4 =	vlt.s32 v18, v10  }
0x1cb: {  	vm2 =	vmand vm1, vm2;
	vm1 =	vge.s32 v13, v11;
	v13 =	vld [tilespmem:s18+$0x10];
	vm5 =	vge.s32 v15, v11  }
0x1cc: {  	v15 =	vsel vm2, $0x1, v1;
	vm2 =	vmand vm3, vm5;
	vm3 =	vge.s32 v16, v11  }
0x1cd: {  	p1 =	por $0x1, $0x1;
	s20 =	sadd.s32 $0xFFFFFFFF, s19;
	s19 =	simm.s32 $0x0;
	v15 =	vadd.s32 v15, v12;
	v16 =	vsel vm2, $0x1, v1;
	vm2 =	vmand vm4, vm3  }
.LBB2_22:
0x1ce: {  	p2 =	sne.s32 s20, $0x1;
	v17 =	vld [tilespmem:s18+$0xFFFFFFF0];
	v15 =	vadd.s32 v16, v15;
	v16 =	vsel vm2, $0x1, v1;
	vm0 =	vmand vm0, vm1;
	s19 =	sadd.s32 $0x4, s19  }
0x1cf: {  	v18 =	vmov s19;
	s21 =	sadd.s32 $0x2, s19;
	v19 =	vld [tilespmem:s18+$0x0];
	s22 =	sadd.s32 $0x3, s19;
	v15 =	vadd.s32 v16, v15;
	v16 =	vsel vm0, $0x1, v1  }
0x1d0: {  	s23 =	sadd.s32 $0x1, s19;
	v20 =	vmov s21;
	v21 =	vmov s22;
	v15 =	vadd.s32 v16, v15  }
.Ltmp13:
0x1d1: {  	vm1 =	vlt.s32 v18, v10;
	v16 =	vmov s23;
	vm0 =	vlt.s32 v21, v10;
	(pc) =	sbr.rel @p2 .LBB2_22-.Ltmp13, $4  }
0x1d2: {  	vm2 =	vge.s32 v14, v11;
	vm3 =	vlt.s32 v16, v10;
	vm4 =	vlt.s32 v20, v10  }
0x1d3: {  	s18 =	sadd.s32 $0x40, s18;
	vm2 =	vmand vm1, vm2;
	vm1 =	vge.s32 v13, v11;
	vm5 =	vge.s32 v17, v11  }
0x1d4: {  	v16 =	vsel vm2, $0x1, v1;
	v13 =	vld [tilespmem:s18+$0x10];
	vm2 =	vmand vm3, vm5;
	vm3 =	vge.s32 v19, v11  }
0x1d5: {  	s20 =	sadd.s32 $0xFFFFFFFF, s20;
	v15 =	vadd.s32 v16, v15;
	v14 =	vld [tilespmem:s18+$0xFFFFFFE0];
	v16 =	vsel vm2, $0x1, v1;
	vm2 =	vmand vm4, vm3  }
.Ltmp14:
0x1d6: {  	_ = 	snop;
	(pc) =	sbr.rel .LBB2_23-.Ltmp14, $1  }
0x1d7: {  	_ =	sdelay $0x3  }
.LBB2_21:
.Ltmp15:
0x1d8: {  	(pc) =	sbr.rel .LBB2_23-.Ltmp15, $2  }
0x1d9: {  	_ =	sdelay $0x2  }
0x1da: {  	s19 =	simm.s32 $0x0  }
.LBB2_25:
0x1db: {  	_ =	sdelay $0x2  }
0x1dc: {  	s15 =	simm.s32 $0x0  }
0x1dd: {  	v10 =	vld.idx.msk [tilespmem:v4+s15+$0x100 ss:$0x1], $0xffff  }
0x1de: {  	v13 =	vld.idx.msk [tilespmem:v4+s15+$0x180 ss:$0x1], $0xffff  }
0x1df: {  	v9 =	vld.idx.msk [tilespmem:v4+s15+$0xFFFFFE80 ss:$0x1], $0xffff;
	_ =	sdelay $0x2  }
0x1e0: {  	v8 =	vshll.u32 v8, $0x13;
	v11 =	vand.u32 $0x7FFFFFFF, v10  }
0x1e1: {  	v8 =	vor.u32 v8, v7;
	v14 =	vand.u32 $0x7FFFFFFF, v13;
	v6 =	vshrl.u32 v11, $0x17  }
0x1e2: {  	v17 =	vand.u32 $0x7FFFFFFF, v9;
	v7 =	vshrl.u32 v14, $0x17;
	v12 =	vmax.u32 v6, $0x43  }
0x1e3: {  	v11 =	vand.u32 $0x7FFFFF, v11;
	v15 =	vmax.u32 v7, $0x43;
	v7 =	vld.idx.msk [tilespmem:v4+s15+$0x80 ss:$0x1], $0xffff;
	v12 =	vmin.u32 v12, $0x82  }
0x1e4: {  	v14 =	vand.u32 $0x7FFFFF, v14;
	v6 =	vld.idx.msk [tilespmem:v4+s15+$0xFFFFFF00 ss:$0x1], $0xffff;
	vm1 =	vge.s32 v11, v8;
	v16 =	vadd.s32 $0xFFFFFFBD, v12  }
0x1e5: {  	v11 =	vmin.u32 v15, $0x82;
	v15 =	vshrl.u32 v17, $0x17;
	vm0 =	veq.s32 v16, v5  }
0x1e6: {  	v12 =	vld.idx.msk [tilespmem:v4+s15+$0xFFFFFF80 ss:$0x1], $0xffff;
	v19 =	vadd.s32 $0xFFFFFFBD, v11;
	vm2 =	vgt.s32 v16, v5;
	vm0 =	vmand vm1, vm0  }
0x1e7: {  	v16 =	vand.u32 $0x7FFFFF, v17;
	vm1 =	veq.s32 v19, v5;
	vm0 =	vmor vm2, vm0  }
0x1e8: {  	v17 =	vand.u32 $0x7FFFFFFF, v7;
	vm2 =	vge.s32 v14, v8;
	v20 =	vnsel vm0, $0x0, v10  }
0x1e9: {  	v10 =	vand.u32 $0x7FFFFFFF, v6;
	v22 =	vshrl.u32 v17, $0x17;
	v24 =	vand.u32 $0x7FFFFF, v17  }
0x1ea: {  	vm1 =	vmand vm2, vm1;
	vm2 =	vge.s32 v16, v8;
	v11 =	vshrl.u32 v10, $0x17  }
0x1eb: {  	v21 =	vand.u32 $0x7FFFFFFF, v12;
	v10 =	vand.u32 $0x7FFFFF, v10;
	v22 =	vmax.u32 v22, $0x43  }
0x1ec: {  	v18 =	vmax.u32 v11, $0x43;
	v11 =	vld.idx.msk [tilespmem:v4+s15+$0xFFFFFE00 ss:$0x1], $0xffff;
	vm0 =	vge.s32 v10, v8;
	v10 =	vmax.u32 v15, $0x43  }
0x1ed: {  	v23 =	vshrl.u32 v21, $0x17;
	v21 =	vand.u32 $0x7FFFFF, v21;
	v10 =	vmin.u32 v10, $0x82  }
0x1ee: {  	v18 =	vmin.u32 v18, $0x82;
	v15 =	vmax.u32 v23, $0x43;
	v17 =	vadd.s32 $0xFFFFFFBD, v10;
	v10 =	vld.idx.msk [tilespmem:v4+s15+$0x0 ss:$0x1], $0xffff  }
0x1ef: {  	vm3 =	veq.s32 v17, v5;
	vm4 =	vgt.s32 v17, v5;
	v17 =	vadd.s32 $0xFFFFFFBD, v18  }
0x1f0: {  	v18 =	vmin.u32 v22, $0x82;
	vm5 =	vmand vm2, vm3;
	vm3 =	vgt.s32 v19, v5  }
0x1f1: {  	vm2 =	vge.s32 v24, v8;
	v14 =	vand.u32 $0x7FFFFFFF, v11;
	vm6 =	vmor vm3, vm1  }
0x1f2: {  	vm1 =	vgt.s32 v17, v5;
	vm3 =	vge.s32 v21, v8;
	vm4 =	vmor vm4, vm5  }
0x1f3: {  	s16 =	simm.s32 $0x1000;
	[tilespmem:v4+s15+$0x100 ss:$0x1] =	vst.idx.msk $0xffff, v20;
	v16 =	vshrl.u32 v14, $0x17;
	v13 =	vnsel vm6, $0x0, v13;
	v19 =	vand.u32 $0x7FFFFFFF, v10  }
.LBB2_26:
0x1f4: {  	s17 =	sshra.s32 s16, $0x2;
	p0 =	sne.s32 s16, $0x2F000;
	s16 =	sadd.s32 $0x1000, s16;
	v20 =	vshrl.u32 v19, $0x17;
	v19 =	vand.u32 $0x7FFFFF, v19;
	v18 =	vadd.s32 $0xFFFFFFBD, v18  }
0x1f5: {  	vm5 =	veq.s32 v17, v5;
	v15 =	vmin.u32 v15, $0x82;
	v21 =	vld.idx.msk [tilespmem:v4+s17+$0x100 ss:$0x1], $0xffff;
	vm6 =	veq.s32 v18, v5  }
0x1f6: {  	v16 =	vmax.u32 v16, $0x43;
	v14 =	vand.u32 $0x7FFFFF, v14;
	v9 =	vnsel vm4, $0x0, v9;
	[tilespmem:v4+s15+$0x180 ss:$0x1] =	vst.idx.msk $0xffff, v13  }
0x1f7: {  	v16 =	vmin.u32 v16, $0x82;
	v15 =	vadd.s32 $0xFFFFFFBD, v15;
	vm4 =	vge.s32 v19, v8;
	v13 =	vld.idx.msk [tilespmem:v4+s17+$0x180 ss:$0x1], $0xffff;
	[tilespmem:v4+s15+$0xFFFFFE80 ss:$0x1] =	vst.idx.msk $0xffff, v9  }
0x1f8: {  	vm5 =	vmand vm0, vm5;
	v16 =	vadd.s32 $0xFFFFFFBD, v16;
	vm7 =	vgt.s32 v15, v5  }
0x1f9: {  	vm9 =	vgt.s32 v18, v5;
	vm8 =	veq.s32 v15, v5;
	vm2 =	vmand vm2, vm6;
	v9 =	vld.idx.msk [tilespmem:v4+s17+$0xFFFFFE80 ss:$0x1], $0xffff  }
0x1fa: {  	vm6 =	vge.s32 v14, v8;
	vm0 =	vgt.s32 v16, v5;
	vm3 =	vmand vm3, vm8  }
0x1fb: {  	vm8 =	veq.s32 v16, v5;
	vm2 =	vmor vm9, vm2;
	vm3 =	vmor vm7, vm3  }
0x1fc: {  	vm1 =	vmor vm1, vm5;
	v14 =	vmax.u32 v20, $0x43;
	v12 =	vnsel vm3, $0x0, v12  }
0x1fd: {  	v15 =	vand.u32 $0x7FFFFFFF, v21;
	v16 =	vand.u32 $0x7FFFFFFF, v13;
	[tilespmem:v4+s15+$0xFFFFFF80 ss:$0x1] =	vst.idx.msk $0xffff, v12;
	v12 =	vmin.u32 v14, $0x82  }
0x1fe: {  	v6 =	vnsel vm1, $0x0, v6;
	v14 =	vshrl.u32 v15, $0x17;
	v15 =	vand.u32 $0x7FFFFF, v15  }
0x1ff: {  	vm1 =	vmand vm6, vm8;
	v17 =	vshrl.u32 v16, $0x17;
	v14 =	vmax.u32 v14, $0x43;
	[tilespmem:v4+s15+$0xFFFFFF00 ss:$0x1] =	vst.idx.msk $0xffff, v6  }
0x200: {  	v7 =	vnsel vm2, $0x0, v7;
	v17 =	vmax.u32 v17, $0x43;
	v14 =	vmin.u32 v14, $0x82;
	v6 =	vld.idx.msk [tilespmem:v4+s17+$0xFFFFFF00 ss:$0x1], $0xffff  }
0x201: {  	v18 =	vand.u32 $0x7FFFFFFF, v9;
	v17 =	vmin.u32 v17, $0x82;
	v14 =	vadd.s32 $0xFFFFFFBD, v14;
	[tilespmem:v4+s15+$0x80 ss:$0x1] =	vst.idx.msk $0xffff, v7  }
0x202: {  	vm3 =	vge.s32 v15, v8;
	v15 =	vadd.s32 $0xFFFFFFBD, v12;
	vm2 =	veq.s32 v14, v5;
	v7 =	vld.idx.msk [tilespmem:v4+s17+$0x80 ss:$0x1], $0xffff  }
0x203: {  	vm0 =	vmor vm0, vm1;
	vm5 =	vgt.s32 v14, v5;
	vm2 =	vmand vm3, vm2;
	v12 =	vld.idx.msk [tilespmem:v4+s17+$0xFFFFFF80 ss:$0x1], $0xffff  }
0x204: {  	v11 =	vnsel vm0, $0x0, v11;
	v19 =	vadd.s32 $0xFFFFFFBD, v17;
	vm1 =	vmor vm5, vm2  }
0x205: {  	vm0 =	veq.s32 v15, v5;
	v14 =	vshrl.u32 v18, $0x17;
	v17 =	vnsel vm1, $0x0, v21;
	[tilespmem:v4+s15+$0xFFFFFE00 ss:$0x1] =	vst.idx.msk $0xffff, v11  }
0x206: {  	vm0 =	vmand vm4, vm0;
	vm2 =	vgt.s32 v15, v5;
	v20 =	vand.u32 $0x7FFFFFFF, v6;
	[tilespmem:v4+s17+$0x100 ss:$0x1] =	vst.idx.msk $0xffff, v17  }
0x207: {  	vm1 =	veq.s32 v19, v5;
	vm0 =	vmor vm2, vm0;
	v17 =	vand.u32 $0x7FFFFF, v18  }
0x208: {  	v16 =	vand.u32 $0x7FFFFF, v16;
	v15 =	vshrl.u32 v20, $0x17;
	v18 =	vand.u32 $0x7FFFFFFF, v7  }
0x209: {  	v15 =	vmax.u32 v15, $0x43;
	v21 =	vand.u32 $0x7FFFFFFF, v12;
	v22 =	vshrl.u32 v18, $0x17;
	v11 =	vld.idx.msk [tilespmem:v4+s17+$0xFFFFFE00 ss:$0x1], $0xffff  }
0x20a: {  	v23 =	vmin.u32 v15, $0x82;
	v15 =	vshrl.u32 v21, $0x17;
	v21 =	vand.u32 $0x7FFFFF, v21  }
0x20b: {  	v14 =	vmax.u32 v14, $0x43;
	v10 =	vnsel vm0, $0x0, v10;
	v22 =	vmax.u32 v22, $0x43  }
0x20c: {  	v14 =	vmin.u32 v14, $0x82;
	v20 =	vand.u32 $0x7FFFFF, v20;
	v18 =	vand.u32 $0x7FFFFF, v18;
	[tilespmem:v4+s15+$0x0 ss:$0x1] =	vst.idx.msk $0xffff, v10;
	s15 =	smov.u32 s17  }
0x20d: {  	v24 =	vadd.s32 $0xFFFFFFBD, v14;
	vm2 =	vge.s32 v16, v8;
	vm0 =	vge.s32 v20, v8;
	v10 =	vld.idx.msk [tilespmem:v4+s15+$0x0 ss:$0x1], $0xffff  }
0x20e: {  	vm3 =	veq.s32 v24, v5;
	vm4 =	vmand vm2, vm1;
	v15 =	vmax.u32 v15, $0x43  }
.Ltmp16:
0x20f: {  	vm5 =	vgt.s32 v24, v5;
	vm1 =	vge.s32 v17, v8;
	v14 =	vand.u32 $0x7FFFFFFF, v11;
	(pc) =	sbr.rel @p0 .LBB2_26-.Ltmp16, $4  }
0x210: {  	v17 =	vadd.s32 $0xFFFFFFBD, v23;
	vm2 =	vge.s32 v18, v8;
	v16 =	vshrl.u32 v14, $0x17  }
0x211: {  	vm7 =	vgt.s32 v19, v5;
	vm6 =	vmand vm1, vm3;
	v18 =	vmin.u32 v22, $0x82  }
0x212: {  	vm7 =	vmor vm7, vm4;
	vm1 =	vgt.s32 v17, v5;
	vm3 =	vge.s32 v21, v8  }
0x213: {  	v13 =	vnsel vm7, $0x0, v13;
	vm4 =	vmor vm5, vm6;
	v19 =	vand.u32 $0x7FFFFFFF, v10  }
0x214: {  	v20 =	vshrl.u32 v19, $0x17;
	v61 =	vand.u32 $0x7FFFFF, v19;
	v18 =	vadd.s32 $0xFFFFFFBD, v18  }
0x215: {  	vm5 =	veq.s32 v17, v5;
	v15 =	vmin.u32 v15, $0x82;
	v16 =	vmax.u32 v16, $0x43  }
0x216: {  	v14 =	vand.u32 $0x7FFFFF, v14;
	v9 =	vnsel vm4, $0x0, v9;
	vm6 =	veq.s32 v18, v5  }
0x217: {  	v16 =	vmin.u32 v16, $0x82;
	v15 =	vadd.s32 $0xFFFFFFBD, v15;
	vm4 =	vge.s32 v61, v8  }
0x218: {  	vm0 =	vmand vm0, vm5;
	vm8 =	vgt.s32 v18, v5;
	vm9 =	vge.s32 v14, v8  }
0x219: {  	v62 =	vmax.u32 v20, $0x43;
	v16 =	vadd.s32 $0xFFFFFFBD, v16;
	vm14 =	vgt.s32 v15, v5  }
0x21a: {  	vm7 =	veq.s32 v15, v5;
	vm2 =	vmand vm2, vm6;
	vm0 =	vmor vm1, vm0  }
0x21b: {  	v8 =	vmin.u32 v62, $0x82;
	vm15 =	vgt.s32 v16, v5;
	vm3 =	vmand vm3, vm7  }
0x21c: {  	[tilespmem:v4+s15+$0x180 ss:$0x1] =	vst.idx.msk $0xffff, v13;
	s14 =	sadd.s32 $0x1, s14;
	vm11 =	veq.s32 v16, v5;
	vm2 =	vmor vm8, vm2;
	v6 =	vnsel vm0, $0x0, v6  }
0x21d: {  	[tilespmem:v4+s15+$0xFFFFFE80 ss:$0x1] =	vst.idx.msk $0xffff, v9;
	p0 =	sne.s32 s14, $0x8;
	v8 =	vadd.s32 $0xFFFFFFBD, v8;
	vm3 =	vmor vm14, vm3;
	vm12 =	vmand vm9, vm11  }
.Ltmp17:
0x21e: {  	v7 =	vnsel vm2, $0x0, v7;
	vm13 =	veq.s32 v8, v5;
	[tilespmem:v4+s15+$0xFFFFFF00 ss:$0x1] =	vst.idx.msk $0xffff, v6;
	vm14 =	vgt.s32 v8, v5;
	(pc) =	sbr.rel @p0 .LBB2_2-.Ltmp17, $4  }
0x21f: {  	v63 =	vnsel vm3, $0x0, v12;
	vm0 =	vmor vm15, vm12;
	vm1 =	vmand vm4, vm13;
	[tilespmem:v4+s15+$0x80 ss:$0x1] =	vst.idx.msk $0xffff, v7  }
0x220: {  	[tilespmem:v4+s15+$0xFFFFFF80 ss:$0x1] =	vst.idx.msk $0xffff, v63;
	v5 =	vnsel vm0, $0x0, v11;
	vm15 =	vmor vm14, vm1  }
0x221: {  	[tilespmem:v4+s15+$0xFFFFFE00 ss:$0x1] =	vst.idx.msk $0xffff, v5;
	v5 =	vnsel vm15, $0x0, v10  }
0x222: {  	s13 =	sadd.s32 $0x10, s13;
	[tilespmem:v4+s15+$0x0 ss:$0x1] =	vst.idx.msk $0xffff, v5  }
0x223: {  	s12 =	sadd.s32 $0x1, s12  }
0x224: {  	p0 =	sne.s32 s12, s5  }
.Ltmp18:
0x225: {  	_ = 	snop;
	(pc) =	sbr.rel @p0 .LBB2_1-.Ltmp18, $4  }
0x226: {  	[hbm4b:s4+s6] =	stream.strided.scatter [tilespmem:s2], [sflag:$0x1], $0xC000, s7, s6, $0x38;
	[tilespmem:$0xF800] =	vst v63  }
0x227: {  	_ =	swait.ge [sflag:s8], $0xC000  }
0x228: {  	[sflag:s8] =	ssyncset.done $0x0  }
0x229: {  	[sflag:s8] =	ssyncadd.s32 $0xFFFF4000  }
0x22a: {  	_ =	sfence.sel $0x180000  }
0x22b: {  	[bflag:$0x0] =	sbarrier.arrive $0xFFFF  }
0x22c: {  	p0 =	sne.s32 s0, $0x0;
	_ =	strace $0x90000047  }
0x22d: {  	s0 =	sadd.s32 @!p0 $0x100000, s1;
	[bflag:$0x2] =	sbarrier.arrive $0xFFFF  }
0x22e: {  	[sflag:s0] =	ssyncadd.tile.s32 @!p0 $0x1;
	_ =	shalt  }
.Lfunc_end2:
_tile_overlayer_lowered:
.L_overlay_start_2:
0x22f: {  	(tag) =	ssettag $0x2  }
0x230: {  	s0 =	rddreg [dreg:$0x0];
	s2 =	stileid.u32  }
0x231: {  	s1 =	rddreg [dreg:$0x1];
	p0 =	sne.s32 s2, $0x0  }
0x232: {  	s3 =	rddreg [dreg:$0x2];
	[bflag:$0x3] =	sbarrier.arrive $0xFFFF;
	s2 =	simm.s32 @!p0 $0x1C01  }
0x233: {  	[timem:s3], [sflag:s2] =	dma.local @!p0 [hbm:s0], s1  }
0x234: {  	s0 =	simm.s32 @!p0 $0x1  }
0x235: {  	_ =	swait.ge @!p0 [sflag:s0], s1  }
0x236: {  	s1 =	ssub.s32 @!p0 $0x0, s1;
	[sflag:s0] =	ssyncset.done @!p0 $0x0  }
0x237: {  	[sflag:s0] =	ssyncadd.s32 @!p0 s1  }
0x238: {  	[bflag:$0x3] =	sbarrier.arrive $0xFFFF  }
0x239: {  	_ =	shalt  }

</sc_bundles>
